<compile_context>
chip_gen: v7x
topology: tpu7x:2x2x1
jax: 0.10.2.dev20260603
libtpu: 0.0.44.dev20260713+nightly
codegen_flags: <defaults>
</compile_context>

<pallas_src>
import functools

import jax
import jax.numpy as jnp
from jax import lax
from jax.experimental import pallas as pl
from jax.experimental.pallas import tpu as pltpu
from jax.experimental.pallas import tpu_sc as plsc

N_NODES = 10000
N_EDGES = 320000
D = 128
D_OUT = 64
NUM_GRAPHS = 64

NC = 2
NS = 16
NW = NC * NS

CHUNK = 128
CHUNKS_PER_TILE = 80
E_PAD = CHUNKS_PER_TILE * NW * CHUNK
GROUPS = CHUNKS_PER_TILE // 2
DUMMY = N_NODES
NPAD = 10112
ROWS_PER_TILE = NPAD // NS

_mesh = plsc.VectorSubcoreMesh(
    core_axis_name="c", subcore_axis_name="s", num_cores=NC, num_subcores=NS)


def _sc_body(with_cnt, *refs):
  if with_cnt:
    (x_hbm, src3_hbm, dst3_hbm, acc_out, cnt_out,
     sbuf, dst_idx, rows, zbuf, sem, acc_sh, cnt_v) = refs
  else:
    (x_hbm, src3_hbm, dst3_hbm, acc_out,
     sbuf, dst_idx, rows, zbuf, sem, acc_sh) = refs
    cnt_out = cnt_v = None

  c = lax.axis_index("c")
  s = lax.axis_index("s")
  wid = s * NC + c
  r_base = s * ROWS_PER_TILE

  zero16 = jnp.zeros((16,), jnp.float32)
  ones16 = jnp.ones((16,), jnp.float32)

  def _zrow(i, _):
    def _zlane(j, _):
      zbuf[i, pl.ds(j * 16, 16)] = zero16
      return 0
    lax.fori_loop(0, D // 16, _zlane, 0)
    return 0
  lax.fori_loop(0, 32, _zrow, 0)

  def _zacc(t, _):
    pltpu.sync_copy(zbuf, acc_sh.at[pl.ds(r_base + t * 32, 32)])
    return 0
  lax.fori_loop(0, 19, _zacc, 0)
  pltpu.sync_copy(zbuf.at[pl.ds(0, 24)], acc_sh.at[pl.ds(r_base + 608, 24)])

  if with_cnt:
    def _zcnt(i, _):
      cnt_v[pl.ds(i * 16, 16)] = zero16
      return 0
    lax.fori_loop(0, NPAD // 16, _zcnt, 0)

  e_base = wid * CHUNKS_PER_TILE * CHUNK
  pltpu.sync_copy(src3_hbm.at[pl.ds(e_base, CHUNKS_PER_TILE * CHUNK)], sbuf)
  plsc.subcore_barrier()

  def _edge_chunk(t, _):
    gd = pltpu.async_copy(
        x_hbm.at[sbuf.at[pl.ds(t * CHUNK, CHUNK)]], rows, sem)
    pltpu.sync_copy(dst3_hbm.at[pl.ds(e_base + t * CHUNK, CHUNK)], dst_idx)
    gd.wait()
    pltpu.sync_copy(rows, acc_sh.at[dst_idx], add=True)
    if with_cnt:
      for j in range(CHUNK // 16):
        idx16 = dst_idx[pl.ds(j * 16, 16)]
        plsc.addupdate_scatter(cnt_v, [idx16], ones16)
    return 0
  lax.fori_loop(0, CHUNKS_PER_TILE, _edge_chunk, 0)

  plsc.subcore_barrier()

  def _wacc(t, _):
    r0 = r_base + t * CHUNK
    pltpu.sync_copy(acc_sh.at[pl.ds(r0, CHUNK)], rows)
    pltpu.sync_copy(rows, acc_out.at[c, pl.ds(r0, CHUNK)])
    return 0
  lax.fori_loop(0, 4, _wacc, 0)
  pltpu.sync_copy(acc_sh.at[pl.ds(r_base + 512, 120)],
                  rows.at[pl.ds(0, 120)])
  pltpu.sync_copy(rows.at[pl.ds(0, 120)],
                  acc_out.at[c, pl.ds(r_base + 512, 120)])

  if with_cnt:
    pltpu.sync_copy(cnt_v, cnt_out.at[wid])


_sc_scratch = [
    pltpu.VMEM((CHUNKS_PER_TILE * CHUNK,), jnp.int32),
    pltpu.VMEM((CHUNK,), jnp.int32),
    pltpu.VMEM((CHUNK, D), jnp.float32),
    pltpu.VMEM((32, D), jnp.float32),
    pltpu.SemaphoreType.DMA,
    pltpu.VMEM_SHARED((NPAD, D), jnp.float32),
]

_sc_pass1 = pl.kernel(
    functools.partial(_sc_body, True),
    out_type=(jax.ShapeDtypeStruct((NC, NPAD, D), jnp.float32),
              jax.ShapeDtypeStruct((NW, NPAD), jnp.float32)),
    mesh=_mesh,
    scratch_types=_sc_scratch + [pltpu.VMEM((NPAD,), jnp.float32)],
    compiler_params=pltpu.CompilerParams(needs_layout_passes=False),
    name="sage_edge_agg_cnt",
)

_sc_pass2 = pl.kernel(
    functools.partial(_sc_body, False),
    out_type=jax.ShapeDtypeStruct((NC, NPAD, D), jnp.float32),
    mesh=_mesh,
    scratch_types=_sc_scratch,
    compiler_params=pltpu.CompilerParams(needs_layout_passes=False),
    name="sage_edge_agg",
)



_ROWS_BLK = 400
_N_BLKS = N_NODES // _ROWS_BLK


def _combine_body(relu, p_ref, c_ref, x_ref, wl_ref, wr_ref, b_ref, o_ref):
  psum = p_ref[0] + p_ref[1]
  cnt = jnp.maximum(
      jnp.sum(c_ref[...], axis=1, keepdims=True), 1.0)
  agg = psum / cnt
  h = (jnp.dot(agg, wl_ref[...], preferred_element_type=jnp.float32)
       + jnp.dot(x_ref[...], wr_ref[...], preferred_element_type=jnp.float32)
       + b_ref[...])
  o_ref[...] = jnp.maximum(h, 0.0) if relu else h


def _tc_combine(p, cnt, x, wl, wr, b, relu):
  return pl.pallas_call(
      functools.partial(_combine_body, relu),
      grid=(_N_BLKS,),
      in_specs=[
          pl.BlockSpec((NC, _ROWS_BLK, D), lambda i: (0, i, 0)),
          pl.BlockSpec((_ROWS_BLK, NW), lambda i: (i, 0)),
          pl.BlockSpec((_ROWS_BLK, D), lambda i: (i, 0)),
          pl.BlockSpec((D, D), lambda i: (0, 0)),
          pl.BlockSpec((D, D), lambda i: (0, 0)),
          pl.BlockSpec((1, D), lambda i: (0, 0)),
      ],
      out_specs=pl.BlockSpec((_ROWS_BLK, D), lambda i: (i, 0)),
      out_shape=jax.ShapeDtypeStruct((N_NODES, D), jnp.float32),
  )(p, cnt, x, wl, wr, b)



def _pool_body(h_ref, b3_ref, wh_ref, bh_ref, o_ref, gs_ref, gc_ref):
  i = pl.program_id(0)

  @pl.when(i == 0)
  def _():
    gs_ref[...] = jnp.zeros_like(gs_ref)
    gc_ref[...] = jnp.zeros_like(gc_ref)

  bb = b3_ref[0, 0, :]
  onehot = (bb[None, :] == lax.broadcasted_iota(
      jnp.int32, (NUM_GRAPHS, _ROWS_BLK), 0)).astype(jnp.float32)
  gs_ref[...] += jnp.dot(onehot, h_ref[...],
                         preferred_element_type=jnp.float32)
  gc_ref[...] += jnp.broadcast_to(
      jnp.sum(onehot, axis=1, keepdims=True), gc_ref.shape)

  @pl.when(i == _N_BLKS - 1)
  def _():
    g = gs_ref[...] / jnp.maximum(gc_ref[...], 1.0)
    o_ref[...] = (jnp.dot(g, wh_ref[...], preferred_element_type=jnp.float32)
                  + bh_ref[...])


def _tc_pool(h, batch3, wh, bh):
  return pl.pallas_call(
      _pool_body,
      grid=(_N_BLKS,),
      in_specs=[
          pl.BlockSpec((_ROWS_BLK, D), lambda i: (i, 0)),
          pl.BlockSpec((1, 1, _ROWS_BLK), lambda i: (i, 0, 0)),
          pl.BlockSpec((D, D_OUT), lambda i: (0, 0)),
          pl.BlockSpec((1, D_OUT), lambda i: (0, 0)),
      ],
      out_specs=pl.BlockSpec((NUM_GRAPHS, D_OUT), lambda i: (0, 0)),
      out_shape=jax.ShapeDtypeStruct((NUM_GRAPHS, D_OUT), jnp.float32),
      scratch_shapes=[
          pltpu.VMEM((NUM_GRAPHS, D), jnp.float32),
          pltpu.VMEM((NUM_GRAPHS, D), jnp.float32),
      ],
  )(h, batch3, wh, bh)


@jax.jit
def kernel(x, edge_index, batch, W1l, W1r, b1, W2l, W2r, b2, Wh, bh):
  src = jnp.concatenate(
      [edge_index[0].astype(jnp.int32),
       jnp.zeros((E_PAD - N_EDGES,), jnp.int32)]
  )
  dst = jnp.concatenate(
      [edge_index[1].astype(jnp.int32),
       jnp.full((E_PAD - N_EDGES,), DUMMY, jnp.int32)]
  )
  batch3 = batch.astype(jnp.int32).reshape(_N_BLKS, 1, _ROWS_BLK)
  b1r = b1.reshape(1, D)
  b2r = b2.reshape(1, D)
  bhr = bh.reshape(1, D_OUT)

  p1, cnt = _sc_pass1(x, src, dst)
  cnt_t = cnt.T
  h1 = _tc_combine(p1, cnt_t, x, W1l, W1r, b1r, relu=True)
  p2 = _sc_pass2(h1, src, dst)
  h2 = _tc_combine(p2, cnt_t, h1, W2l, W2r, b2r, relu=False)
  return _tc_pool(h2, batch3, Wh, bhr)

# --- scband reference (transcript-rebuilt; emitter-appended) ---
"""Pipeline reference for scband-builtin-gnn-6485400616974 (READ-ONLY COPY).

The authoritative reference and input builder live on the scoring server;
editing this copy changes nothing except your own understanding.
"""

import jax, jax.numpy as jnp
import numpy as np

N_NODES = 10000
N_EDGES = 320000
D_IN = 128
D_HID = 128
D_OUT = 64
NUM_GRAPHS = 64


def setup_inputs(seed: int = 0) -> dict:
    key = jax.random.key(seed)
    ks = [jax.random.fold_in(key, i) for i in range(12)]
    x = jax.random.normal(ks[0], (N_NODES, D_IN), dtype=jnp.float32)
    edge_index = jax.random.randint(ks[1], (2, N_EDGES), 0, N_NODES, dtype=jnp.int64)
    batch = jnp.sort(jax.random.randint(ks[2], (N_NODES,), 0, NUM_GRAPHS, dtype=jnp.int64))
    s = 1.0 / np.sqrt(D_IN)
    W1l = jax.random.uniform(ks[3], (D_IN, D_HID), jnp.float32, -s, s)
    W1r = jax.random.uniform(ks[4], (D_IN, D_HID), jnp.float32, -s, s)
    b1 = jnp.zeros((D_HID,), jnp.float32)
    s2 = 1.0 / np.sqrt(D_HID)
    W2l = jax.random.uniform(ks[5], (D_HID, D_HID), jnp.float32, -s2, s2)
    W2r = jax.random.uniform(ks[6], (D_HID, D_HID), jnp.float32, -s2, s2)
    b2 = jnp.zeros((D_HID,), jnp.float32)
    Wh = jax.random.uniform(ks[7], (D_HID, D_OUT), jnp.float32, -s2, s2)
    bh = jnp.zeros((D_OUT,), jnp.float32)
    return {"x": x, "edge_index": edge_index, "batch": batch,
            "W1l": W1l, "W1r": W1r, "b1": b1,
            "W2l": W2l, "W2r": W2r, "b2": b2,
            "Wh": Wh, "bh": bh}


def _sage_conv(x, src, dst, Wl, Wr, b, n_nodes):
    # PyG SAGEConv (aggr='mean'): out = lin_l(mean_{j->i} x_j) + lin_r(x_i) + bias
    msgs = jnp.take(x, src, axis=0)
    agg = jax.ops.segment_sum(msgs, dst, num_segments=n_nodes)
    cnt = jax.ops.segment_sum(jnp.ones((src.shape[0], 1), x.dtype), dst, num_segments=n_nodes)
    agg = agg / jnp.clip(cnt, 1.0, None)
    return agg @ Wl + x @ Wr + b


def reference(x, edge_index, batch, W1l, W1r, b1, W2l, W2r, b2, Wh, bh):
    src = edge_index[0]
    dst = edge_index[1]
    n = x.shape[0]
    h = _sage_conv(x, src, dst, W1l, W1r, b1, n)
    h = jax.nn.relu(h)  # act between layers; dropout=0 in eval
    h = _sage_conv(h, src, dst, W2l, W2r, b2, n)  # last layer: no activation (jk=None)
    # global_mean_pool over graph ids
    gsum = jax.ops.segment_sum(h, batch, num_segments=NUM_GRAPHS)
    gcnt = jax.ops.segment_sum(jnp.ones((n, 1), h.dtype), batch, num_segments=NUM_GRAPHS)
    g = gsum / jnp.clip(gcnt, 1.0, None)
    return g @ Wh + bh

if __name__ == "__main__":
    import jax
    _d = setup_inputs()
    print(jax.jit(kernel)(*tuple(_d.values())))

</pallas_src>

<mosaic_0001>
#map = affine_map<(d0, d1) -> (0, 0)>
#map1 = affine_map<(d0, d1) -> (0)>
#map2 = affine_map<(d0, d1) -> (0, 0, 0)>
module attributes {stable_mosaic.version = 14 : i64} {
  func.func @sage_edge_agg_cnt(%arg0: i32, %arg1: i32, %arg2: memref<10000x128xf32, #tpu.memory_space<hbm>>, %arg3: memref<327680xi32, #tpu.memory_space<hbm>>, %arg4: memref<327680xi32, #tpu.memory_space<hbm>>, %arg5: memref<2x10112x128xf32, #tpu.memory_space<hbm>>, %arg6: memref<32x10112xf32, #tpu.memory_space<hbm>>, %arg7: memref<10240xi32, #tpu.memory_space<vmem>>, %arg8: memref<128xi32, #tpu.memory_space<vmem>>, %arg9: memref<128x128xf32, #tpu.memory_space<vmem>>, %arg10: memref<32x128xf32, #tpu.memory_space<vmem>>, %arg11: memref<!tpu.dma_semaphore, #tpu.memory_space<semaphore_mem>>, %arg12: memref<10112x128xf32, #tpu.memory_space<vmem_shared>>, %arg13: memref<10112xf32, #tpu.memory_space<vmem>>) attributes {dimension_semantics = [#tpu.dimension_semantics<core_parallel>, #tpu.dimension_semantics<subcore_parallel>], iteration_bounds = array<i64: 2, 16>, scalar_prefetch = 0 : i64, scratch_operands = 7 : i64, tpu.core_type = #tpu.core_type<sc_vector_subcore>, window_params = [{transform_indices = #map}, {transform_indices = #map1}, {transform_indices = #map1}, {transform_indices = #map2}, {transform_indices = #map}]} {
    %mul3A = arith.constant 2 : i32
    %mul3A_0 = arith.muli %arg1, %mul3A : i32
    %add3A = arith.addi %mul3A_0, %arg0 : i32
    %mul3A_1 = arith.constant 632 : i32
    %mul3A_2 = arith.muli %arg1, %mul3A_1 : i32
    %broadcast_in_dim3A = arith.constant 0.000000e+00 : f32
    %broadcast_in_dim3A_3 = vector.broadcast %broadcast_in_dim3A : f32 to vector<16xf32>
    %broadcast_in_dim3A_4 = arith.constant 1.000000e+00 : f32
    %broadcast_in_dim3A_5 = vector.broadcast %broadcast_in_dim3A_4 : f32 to vector<16xf32>
    %scan3A = arith.constant 0 : i32
    %scan3A_6 = arith.constant 0 : i32
    %scan3A_7 = arith.constant 32 : i32
    %scan3A_8 = arith.addi %scan3A_6, %scan3A_7 : i32
    %scan3A_9 = arith.constant 1 : i32
    %scan3A_10 = scf.for %scan3A_51 = %scan3A_6 to %scan3A_8 step %scan3A_9 iter_args(%scan3A_52 = %scan3A) -> (i32)  : i32 {
      %scan3A_53 = arith.constant 0 : i32
      %scan3A_54 = arith.constant 0 : i32
      %scan3A_55 = arith.constant 8 : i32
      %scan3A_56 = arith.addi %scan3A_54, %scan3A_55 : i32
      %scan3A_57 = arith.constant 1 : i32
      %scan3A_58 = scf.for %scan3A_61 = %scan3A_54 to %scan3A_56 step %scan3A_57 iter_args(%scan3A_62 = %scan3A_53) -> (i32)  : i32 {
        %mul3A_63 = arith.constant 16 : i32
        %mul3A_64 = arith.muli %scan3A_61, %mul3A_63 : i32
        %swap3A = arith.index_cast %scan3A_51 : i32 to index
        %swap3A_65 = arith.index_cast %mul3A_64 : i32 to index
        %swap3A_66 = tpu.vector_load %arg10[%swap3A, %swap3A_65] {strides = array<i32>} : memref<32x128xf32, #tpu.memory_space<vmem>>, vector<16xf32>,
        tpu.vector_store %arg10[%swap3A, %swap3A_65], %broadcast_in_dim3A_3 {strides = array<i32>} : memref<32x128xf32, #tpu.memory_space<vmem>>, vector<16xf32>,
        %scan3A_67 = arith.constant 0 : i32
        scf.yield %scan3A_67 : i32
      }
      %scan3A_59 = arith.constant 8 : i32
      %scan3A_60 = arith.constant 0 : i32
      scf.yield %scan3A_60 : i32
    }
    %scan3A_11 = arith.constant 32 : i32
    %scan3A_12 = arith.constant 0 : i32
    %scan3A_13 = arith.constant 0 : i32
    %scan3A_14 = arith.constant 19 : i32
    %scan3A_15 = arith.addi %scan3A_13, %scan3A_14 : i32
    %scan3A_16 = arith.constant 1 : i32
    %scan3A_17 = scf.for %scan3A_51 = %scan3A_13 to %scan3A_15 step %scan3A_16 iter_args(%scan3A_52 = %scan3A_12) -> (i32)  : i32 {
      %mul3A_53 = arith.constant 32 : i32
      %mul3A_54 = arith.muli %scan3A_51, %mul3A_53 : i32
      %add3A_55 = arith.addi %mul3A_2, %mul3A_54 : i32
      "tpu.region"() ({
        %run_scoped3A = tpu.sem_alloc : memref<!tpu.dma_semaphore, #tpu.memory_space<semaphore_mem>>
        %dma_start3A = arith.constant 0 : i32
        %dma_start3A_57 = tpu.memref_slice %arg12[%add3A_55, %dma_start3A] : memref<10112x128xf32, #tpu.memory_space<vmem_shared>> -> memref<32x128xf32, #tpu.memory_space<vmem_shared>>
        %dma_start3A_58 = arith.constant 0 : i32
        %dma_start3A_59 = tpu.memref_slice %arg12[%add3A_55, %dma_start3A_58] : memref<10112x128xf32, #tpu.memory_space<vmem_shared>> -> memref<32x128xf32, #tpu.memory_space<vmem_shared>>
        tpu.enqueue_dma source(%arg10 : memref<32x128xf32, #tpu.memory_space<vmem>>) target(%dma_start3A_59 : memref<32x128xf32, #tpu.memory_space<vmem_shared>>) target_semaphore(%run_scoped3A : memref<!tpu.dma_semaphore, #tpu.memory_space<semaphore_mem>>)
        %dma_wait3A = arith.constant 0 : i32
        %dma_wait3A_60 = tpu.memref_slice %arg12[%add3A_55, %dma_wait3A] : memref<10112x128xf32, #tpu.memory_space<vmem_shared>> -> memref<32x128xf32, #tpu.memory_space<vmem_shared>>
        %dma_wait3A_61 = arith.constant 0 : i32
        %dma_wait3A_62 = tpu.memref_slice %arg12[%add3A_55, %dma_wait3A_61] : memref<10112x128xf32, #tpu.memory_space<vmem_shared>> -> memref<32x128xf32, #tpu.memory_space<vmem_shared>>
        tpu.wait_dma2 semaphore(%run_scoped3A : memref<!tpu.dma_semaphore, #tpu.memory_space<semaphore_mem>>) src(%arg10 : memref<32x128xf32, #tpu.memory_space<vmem>>) dst(%dma_wait3A_62 : memref<32x128xf32, #tpu.memory_space<vmem_shared>>)
        tpu.yield
      }) : () -> ()
      %scan3A_56 = arith.constant 0 : i32
      scf.yield %scan3A_56 : i32
    }
    %scan3A_18 = arith.constant 19 : i32
    %add3A_19 = arith.constant 608 : i32
    %add3A_20 = arith.addi %mul3A_2, %add3A_19 : i32
    "tpu.region"() ({
      %run_scoped3A = tpu.sem_alloc : memref<!tpu.dma_semaphore, #tpu.memory_space<semaphore_mem>>
      %dma_start3A = arith.constant 0 : i32
      %dma_start3A_51 = arith.constant 0 : i32
      %dma_start3A_52 = tpu.memref_slice %arg10[%dma_start3A, %dma_start3A_51] : memref<32x128xf32, #tpu.memory_space<vmem>> -> memref<24x128xf32, #tpu.memory_space<vmem>>
      %dma_start3A_53 = arith.constant 0 : i32
      %dma_start3A_54 = tpu.memref_slice %arg12[%add3A_20, %dma_start3A_53] : memref<10112x128xf32, #tpu.memory_space<vmem_shared>> -> memref<24x128xf32, #tpu.memory_space<vmem_shared>>
      %dma_start3A_55 = arith.constant 0 : i32
      %dma_start3A_56 = tpu.memref_slice %arg12[%add3A_20, %dma_start3A_55] : memref<10112x128xf32, #tpu.memory_space<vmem_shared>> -> memref<24x128xf32, #tpu.memory_space<vmem_shared>>
      %dma_start3A_57 = arith.constant 0 : i32
      %dma_start3A_58 = arith.constant 0 : i32
      %dma_start3A_59 = tpu.memref_slice %arg10[%dma_start3A_57, %dma_start3A_58] : memref<32x128xf32, #tpu.memory_space<vmem>> -> memref<24x128xf32, #tpu.memory_space<vmem>>
      tpu.enqueue_dma source(%dma_start3A_59 : memref<24x128xf32, #tpu.memory_space<vmem>>) target(%dma_start3A_56 : memref<24x128xf32, #tpu.memory_space<vmem_shared>>) target_semaphore(%run_scoped3A : memref<!tpu.dma_semaphore, #tpu.memory_space<semaphore_mem>>)
      %dma_wait3A = arith.constant 0 : i32
      %dma_wait3A_60 = arith.constant 0 : i32
      %dma_wait3A_61 = tpu.memref_slice %arg10[%dma_wait3A, %dma_wait3A_60] : memref<32x128xf32, #tpu.memory_space<vmem>> -> memref<24x128xf32, #tpu.memory_space<vmem>>
      %dma_wait3A_62 = arith.constant 0 : i32
      %dma_wait3A_63 = tpu.memref_slice %arg12[%add3A_20, %dma_wait3A_62] : memref<10112x128xf32, #tpu.memory_space<vmem_shared>> -> memref<24x128xf32, #tpu.memory_space<vmem_shared>>
      %dma_wait3A_64 = arith.constant 0 : i32
      %dma_wait3A_65 = tpu.memref_slice %arg12[%add3A_20, %dma_wait3A_64] : memref<10112x128xf32, #tpu.memory_space<vmem_shared>> -> memref<24x128xf32, #tpu.memory_space<vmem_shared>>
      %dma_wait3A_66 = arith.constant 0 : i32
      %dma_wait3A_67 = arith.constant 0 : i32
      %dma_wait3A_68 = tpu.memref_slice %arg10[%dma_wait3A_66, %dma_wait3A_67] : memref<32x128xf32, #tpu.memory_space<vmem>> -> memref<24x128xf32, #tpu.memory_space<vmem>>
      tpu.wait_dma2 semaphore(%run_scoped3A : memref<!tpu.dma_semaphore, #tpu.memory_space<semaphore_mem>>) src(%dma_wait3A_68 : memref<24x128xf32, #tpu.memory_space<vmem>>) dst(%dma_wait3A_65 : memref<24x128xf32, #tpu.memory_space<vmem_shared>>)
      tpu.yield
    }) : () -> ()
    %scan3A_21 = arith.constant 0 : i32
    %scan3A_22 = arith.constant 0 : i32
    %scan3A_23 = arith.constant 632 : i32
    %scan3A_24 = arith.addi %scan3A_22, %scan3A_23 : i32
    %scan3A_25 = arith.constant 1 : i32
    %scan3A_26 = scf.for %scan3A_51 = %scan3A_22 to %scan3A_24 step %scan3A_25 iter_args(%scan3A_52 = %scan3A_21) -> (i32)  : i32 {
      %mul3A_53 = arith.constant 16 : i32
      %mul3A_54 = arith.muli %scan3A_51, %mul3A_53 : i32
      %swap3A = arith.index_cast %mul3A_54 : i32 to index
      %swap3A_55 = tpu.vector_load %arg13[%swap3A] {strides = array<i32>} : memref<10112xf32, #tpu.memory_space<vmem>>, vector<16xf32>,
      tpu.vector_store %arg13[%swap3A], %broadcast_in_dim3A_3 {strides = array<i32>} : memref<10112xf32, #tpu.memory_space<vmem>>, vector<16xf32>,
      %scan3A_56 = arith.constant 0 : i32
      scf.yield %scan3A_56 : i32
    }
    %scan3A_27 = arith.constant 632 : i32
    %mul3A_28 = arith.constant 80 : i32
    %mul3A_29 = arith.muli %add3A, %mul3A_28 : i32
    %mul3A_30 = arith.constant 128 : i32
    %mul3A_31 = arith.muli %mul3A_29, %mul3A_30 : i32
    "tpu.region"() ({
      %run_scoped3A = tpu.sem_alloc : memref<!tpu.dma_semaphore, #tpu.memory_space<semaphore_mem>>
      %dma_start3A = tpu.memref_slice %arg3[%mul3A_31] : memref<327680xi32, #tpu.memory_space<hbm>> -> memref<10240xi32, #tpu.memory_space<hbm>>
      %dma_start3A_51 = tpu.memref_slice %arg3[%mul3A_31] : memref<327680xi32, #tpu.memory_space<hbm>> -> memref<10240xi32, #tpu.memory_space<hbm>>
      tpu.enqueue_dma source(%dma_start3A_51 : memref<10240xi32, #tpu.memory_space<hbm>>) target(%arg7 : memref<10240xi32, #tpu.memory_space<vmem>>) target_semaphore(%run_scoped3A : memref<!tpu.dma_semaphore, #tpu.memory_space<semaphore_mem>>)
      %dma_wait3A = tpu.memref_slice %arg3[%mul3A_31] : memref<327680xi32, #tpu.memory_space<hbm>> -> memref<10240xi32, #tpu.memory_space<hbm>>
      %dma_wait3A_52 = tpu.memref_slice %arg3[%mul3A_31] : memref<327680xi32, #tpu.memory_space<hbm>> -> memref<10240xi32, #tpu.memory_space<hbm>>
      tpu.wait_dma2 semaphore(%run_scoped3A : memref<!tpu.dma_semaphore, #tpu.memory_space<semaphore_mem>>) src(%dma_wait3A_52 : memref<10240xi32, #tpu.memory_space<hbm>>) dst(%arg7 : memref<10240xi32, #tpu.memory_space<vmem>>)
      tpu.yield
    }) : () -> ()
    %barrier3A = arith.constant 0 : index
    tpu.barrier barrier_id(%barrier3A)
    %scan3A_32 = arith.constant 0 : i32
    %scan3A_33 = arith.constant 0 : i32
    %scan3A_34 = arith.constant 80 : i32
    %scan3A_35 = arith.addi %scan3A_33, %scan3A_34 : i32
    %scan3A_36 = arith.constant 1 : i32
    %scan3A_37 = scf.for %scan3A_51 = %scan3A_33 to %scan3A_35 step %scan3A_36 iter_args(%scan3A_52 = %scan3A_32) -> (i32)  : i32 {
      %mul3A_53 = arith.constant 128 : i32
      %mul3A_54 = arith.muli %scan3A_51, %mul3A_53 : i32
      %dma_start3A = tpu.memref_slice %arg7[%mul3A_54] : memref<10240xi32, #tpu.memory_space<vmem>> -> memref<128xi32, #tpu.memory_space<vmem>>
      %dma_start3A_55 = arith.constant 0 : i32
      %dma_start3A_56 = arith.constant 0 : i32
      %dma_start3A_57 = tpu.memref_slice %arg2[%dma_start3A_55, %dma_start3A_56] : memref<10000x128xf32, #tpu.memory_space<hbm>> -> memref<10000x128xf32, #tpu.memory_space<hbm>>
      tpu.enqueue_indirect_dma source(%dma_start3A_57 : memref<10000x128xf32, #tpu.memory_space<hbm>>) target(%arg9 : memref<128x128xf32, #tpu.memory_space<vmem>>) offsets(%dma_start3A : memref<128xi32, #tpu.memory_space<vmem>>) semaphore(%arg11 : memref<!tpu.dma_semaphore, #tpu.memory_space<semaphore_mem>>)
      %mul3A_58 = arith.constant 128 : i32
      %mul3A_59 = arith.muli %scan3A_51, %mul3A_58 : i32
      %add3A_60 = arith.addi %mul3A_31, %mul3A_59 : i32
      "tpu.region"() ({
        %run_scoped3A = tpu.sem_alloc : memref<!tpu.dma_semaphore, #tpu.memory_space<semaphore_mem>>
        %dma_start3A_80 = tpu.memref_slice %arg4[%add3A_60] : memref<327680xi32, #tpu.memory_space<hbm>> -> memref<128xi32, #tpu.memory_space<hbm>>
        %dma_start3A_81 = tpu.memref_slice %arg4[%add3A_60] : memref<327680xi32, #tpu.memory_space<hbm>> -> memref<128xi32, #tpu.memory_space<hbm>>
        tpu.enqueue_dma source(%dma_start3A_81 : memref<128xi32, #tpu.memory_space<hbm>>) target(%arg8 : memref<128xi32, #tpu.memory_space<vmem>>) target_semaphore(%run_scoped3A : memref<!tpu.dma_semaphore, #tpu.memory_space<semaphore_mem>>)
        %dma_wait3A_82 = tpu.memref_slice %arg4[%add3A_60] : memref<327680xi32, #tpu.memory_space<hbm>> -> memref<128xi32, #tpu.memory_space<hbm>>
        %dma_wait3A_83 = tpu.memref_slice %arg4[%add3A_60] : memref<327680xi32, #tpu.memory_space<hbm>> -> memref<128xi32, #tpu.memory_space<hbm>>
        tpu.wait_dma2 semaphore(%run_scoped3A : memref<!tpu.dma_semaphore, #tpu.memory_space<semaphore_mem>>) src(%dma_wait3A_83 : memref<128xi32, #tpu.memory_space<hbm>>) dst(%arg8 : memref<128xi32, #tpu.memory_space<vmem>>)
        tpu.yield
      }) : () -> ()
      %dma_wait3A = tpu.memref_slice %arg7[%mul3A_54] : memref<10240xi32, #tpu.memory_space<vmem>> -> memref<128xi32, #tpu.memory_space<vmem>>
      %dma_wait3A_61 = arith.constant 0 : i32
      %dma_wait3A_62 = arith.constant 0 : i32
      %dma_wait3A_63 = tpu.memref_slice %arg2[%dma_wait3A_61, %dma_wait3A_62] : memref<10000x128xf32, #tpu.memory_space<hbm>> -> memref<10000x128xf32, #tpu.memory_space<hbm>>
      tpu.wait_indirect_dma semaphore(%arg11 : memref<!tpu.dma_semaphore, #tpu.memory_space<semaphore_mem>>) src(%dma_wait3A_63 : memref<10000x128xf32, #tpu.memory_space<hbm>>) dst(%arg9 : memref<128x128xf32, #tpu.memory_space<vmem>>)
      "tpu.region"() ({
        %run_scoped3A = tpu.sem_alloc : memref<!tpu.dma_semaphore, #tpu.memory_space<semaphore_mem>>
        %dma_start3A_80 = arith.constant 0 : i32
        %dma_start3A_81 = arith.constant 0 : i32
        %dma_start3A_82 = tpu.memref_slice %arg12[%dma_start3A_80, %dma_start3A_81] : memref<10112x128xf32, #tpu.memory_space<vmem_shared>> -> memref<10112x128xf32, #tpu.memory_space<vmem_shared>>
        tpu.enqueue_indirect_dma source(%arg9 : memref<128x128xf32, #tpu.memory_space<vmem>>) target(%dma_start3A_82 : memref<10112x128xf32, #tpu.memory_space<vmem_shared>>) offsets(%arg8 : memref<128xi32, #tpu.memory_space<vmem>>) semaphore(%run_scoped3A : memref<!tpu.dma_semaphore, #tpu.memory_space<semaphore_mem>>) {add = true}
        %dma_wait3A_83 = arith.constant 0 : i32
        %dma_wait3A_84 = arith.constant 0 : i32
        %dma_wait3A_85 = tpu.memref_slice %arg12[%dma_wait3A_83, %dma_wait3A_84] : memref<10112x128xf32, #tpu.memory_space<vmem_shared>> -> memref<10112x128xf32, #tpu.memory_space<vmem_shared>>
        tpu.wait_indirect_dma semaphore(%run_scoped3A : memref<!tpu.dma_semaphore, #tpu.memory_space<semaphore_mem>>) src(%arg9 : memref<128x128xf32, #tpu.memory_space<vmem>>) dst(%dma_wait3A_85 : memref<10112x128xf32, #tpu.memory_space<vmem_shared>>)
        tpu.yield
      }) : () -> ()
      %get3A = arith.constant 0 : index
      %get3A_64 = tpu.vector_load %arg8[%get3A] {strides = array<i32>} : memref<128xi32, #tpu.memory_space<vmem>>, vector<16xi32>,
      tpu.vector_store_idx %arg13[%get3A_64], %broadcast_in_dim3A_5 {add = true} : memref<10112xf32, #tpu.memory_space<vmem>>[vector<16xi32>], vector<16xf32>,
      %get3A_65 = arith.constant 16 : index
      %get3A_66 = tpu.vector_load %arg8[%get3A_65] {strides = array<i32>} : memref<128xi32, #tpu.memory_space<vmem>>, vector<16xi32>,
      tpu.vector_store_idx %arg13[%get3A_66], %broadcast_in_dim3A_5 {add = true} : memref<10112xf32, #tpu.memory_space<vmem>>[vector<16xi32>], vector<16xf32>,
      %get3A_67 = arith.constant 32 : index
      %get3A_68 = tpu.vector_load %arg8[%get3A_67] {strides = array<i32>} : memref<128xi32, #tpu.memory_space<vmem>>, vector<16xi32>,
      tpu.vector_store_idx %arg13[%get3A_68], %broadcast_in_dim3A_5 {add = true} : memref<10112xf32, #tpu.memory_space<vmem>>[vector<16xi32>], vector<16xf32>,
      %get3A_69 = arith.constant 48 : index
      %get3A_70 = tpu.vector_load %arg8[%get3A_69] {strides = array<i32>} : memref<128xi32, #tpu.memory_space<vmem>>, vector<16xi32>,
      tpu.vector_store_idx %arg13[%get3A_70], %broadcast_in_dim3A_5 {add = true} : memref<10112xf32, #tpu.memory_space<vmem>>[vector<16xi32>], vector<16xf32>,
      %get3A_71 = arith.constant 64 : index
      %get3A_72 = tpu.vector_load %arg8[%get3A_71] {strides = array<i32>} : memref<128xi32, #tpu.memory_space<vmem>>, vector<16xi32>,
      tpu.vector_store_idx %arg13[%get3A_72], %broadcast_in_dim3A_5 {add = true} : memref<10112xf32, #tpu.memory_space<vmem>>[vector<16xi32>], vector<16xf32>,
      %get3A_73 = arith.constant 80 : index
      %get3A_74 = tpu.vector_load %arg8[%get3A_73] {strides = array<i32>} : memref<128xi32, #tpu.memory_space<vmem>>, vector<16xi32>,
      tpu.vector_store_idx %arg13[%get3A_74], %broadcast_in_dim3A_5 {add = true} : memref<10112xf32, #tpu.memory_space<vmem>>[vector<16xi32>], vector<16xf32>,
      %get3A_75 = arith.constant 96 : index
      %get3A_76 = tpu.vector_load %arg8[%get3A_75] {strides = array<i32>} : memref<128xi32, #tpu.memory_space<vmem>>, vector<16xi32>,
      tpu.vector_store_idx %arg13[%get3A_76], %broadcast_in_dim3A_5 {add = true} : memref<10112xf32, #tpu.memory_space<vmem>>[vector<16xi32>], vector<16xf32>,
      %get3A_77 = arith.constant 112 : index
      %get3A_78 = tpu.vector_load %arg8[%get3A_77] {strides = array<i32>} : memref<128xi32, #tpu.memory_space<vmem>>, vector<16xi32>,
      tpu.vector_store_idx %arg13[%get3A_78], %broadcast_in_dim3A_5 {add = true} : memref<10112xf32, #tpu.memory_space<vmem>>[vector<16xi32>], vector<16xf32>,
      %scan3A_79 = arith.constant 0 : i32
      scf.yield %scan3A_79 : i32
    }
    %scan3A_38 = arith.constant 80 : i32
    %barrier3A_39 = arith.constant 0 : index
    tpu.barrier barrier_id(%barrier3A_39)
    %scan3A_40 = arith.constant 0 : i32
    %scan3A_41 = arith.constant 0 : i32
    %scan3A_42 = arith.constant 4 : i32
    %scan3A_43 = arith.addi %scan3A_41, %scan3A_42 : i32
    %scan3A_44 = arith.constant 1 : i32
    %scan3A_45 = scf.for %scan3A_51 = %scan3A_41 to %scan3A_43 step %scan3A_44 iter_args(%scan3A_52 = %scan3A_40) -> (i32)  : i32 {
      %mul3A_53 = arith.constant 128 : i32
      %mul3A_54 = arith.muli %scan3A_51, %mul3A_53 : i32
      %add3A_55 = arith.addi %mul3A_2, %mul3A_54 : i32
      "tpu.region"() ({
        %run_scoped3A = tpu.sem_alloc : memref<!tpu.dma_semaphore, #tpu.memory_space<semaphore_mem>>
        %dma_start3A = arith.constant 0 : i32
        %dma_start3A_57 = tpu.memref_slice %arg12[%add3A_55, %dma_start3A] : memref<10112x128xf32, #tpu.memory_space<vmem_shared>> -> memref<128x128xf32, #tpu.memory_space<vmem_shared>>
        %dma_start3A_58 = arith.constant 0 : i32
        %dma_start3A_59 = tpu.memref_slice %arg12[%add3A_55, %dma_start3A_58] : memref<10112x128xf32, #tpu.memory_space<vmem_shared>> -> memref<128x128xf32, #tpu.memory_space<vmem_shared>>
        tpu.enqueue_dma source(%dma_start3A_59 : memref<128x128xf32, #tpu.memory_space<vmem_shared>>) target(%arg9 : memref<128x128xf32, #tpu.memory_space<vmem>>) target_semaphore(%run_scoped3A : memref<!tpu.dma_semaphore, #tpu.memory_space<semaphore_mem>>)
        %dma_wait3A = arith.constant 0 : i32
        %dma_wait3A_60 = tpu.memref_slice %arg12[%add3A_55, %dma_wait3A] : memref<10112x128xf32, #tpu.memory_space<vmem_shared>> -> memref<128x128xf32, #tpu.memory_space<vmem_shared>>
        %dma_wait3A_61 = arith.constant 0 : i32
        %dma_wait3A_62 = tpu.memref_slice %arg12[%add3A_55, %dma_wait3A_61] : memref<10112x128xf32, #tpu.memory_space<vmem_shared>> -> memref<128x128xf32, #tpu.memory_space<vmem_shared>>
        tpu.wait_dma2 semaphore(%run_scoped3A : memref<!tpu.dma_semaphore, #tpu.memory_space<semaphore_mem>>) src(%dma_wait3A_62 : memref<128x128xf32, #tpu.memory_space<vmem_shared>>) dst(%arg9 : memref<128x128xf32, #tpu.memory_space<vmem>>)
        tpu.yield
      }) : () -> ()
      "tpu.region"() ({
        %run_scoped3A = tpu.sem_alloc : memref<!tpu.dma_semaphore, #tpu.memory_space<semaphore_mem>>
        %dma_start3A = arith.constant 0 : i32
        %dma_start3A_57 = tpu.memref_slice %arg5[%arg0, %add3A_55, %dma_start3A] : memref<2x10112x128xf32, #tpu.memory_space<hbm>> -> memref<1x128x128xf32, #tpu.memory_space<hbm>>
        %dma_start3A_58 = tpu.memref_squeeze %dma_start3A_57 : memref<1x128x128xf32, #tpu.memory_space<hbm>> -> memref<128x128xf32, #tpu.memory_space<hbm>>
        %dma_start3A_59 = arith.constant 0 : i32
        %dma_start3A_60 = tpu.memref_slice %arg5[%arg0, %add3A_55, %dma_start3A_59] : memref<2x10112x128xf32, #tpu.memory_space<hbm>> -> memref<1x128x128xf32, #tpu.memory_space<hbm>>
        %dma_start3A_61 = tpu.memref_squeeze %dma_start3A_60 : memref<1x128x128xf32, #tpu.memory_space<hbm>> -> memref<128x128xf32, #tpu.memory_space<hbm>>
        tpu.enqueue_dma source(%arg9 : memref<128x128xf32, #tpu.memory_space<vmem>>) target(%dma_start3A_61 : memref<128x128xf32, #tpu.memory_space<hbm>>) target_semaphore(%run_scoped3A : memref<!tpu.dma_semaphore, #tpu.memory_space<semaphore_mem>>)
        %dma_wait3A = arith.constant 0 : i32
        %dma_wait3A_62 = tpu.memref_slice %arg5[%arg0, %add3A_55, %dma_wait3A] : memref<2x10112x128xf32, #tpu.memory_space<hbm>> -> memref<1x128x128xf32, #tpu.memory_space<hbm>>
        %dma_wait3A_63 = tpu.memref_squeeze %dma_wait3A_62 : memref<1x128x128xf32, #tpu.memory_space<hbm>> -> memref<128x128xf32, #tpu.memory_space<hbm>>
        %dma_wait3A_64 = arith.constant 0 : i32
        %dma_wait3A_65 = tpu.memref_slice %arg5[%arg0, %add3A_55, %dma_wait3A_64] : memref<2x10112x128xf32, #tpu.memory_space<hbm>> -> memref<1x128x128xf32, #tpu.memory_space<hbm>>
        %dma_wait3A_66 = tpu.memref_squeeze %dma_wait3A_65 : memref<1x128x128xf32, #tpu.memory_space<hbm>> -> memref<128x128xf32, #tpu.memory_space<hbm>>
        tpu.wait_dma2 semaphore(%run_scoped3A : memref<!tpu.dma_semaphore, #tpu.memory_space<semaphore_mem>>) src(%arg9 : memref<128x128xf32, #tpu.memory_space<vmem>>) dst(%dma_wait3A_66 : memref<128x128xf32, #tpu.memory_space<hbm>>)
        tpu.yield
      }) : () -> ()
      %scan3A_56 = arith.constant 0 : i32
      scf.yield %scan3A_56 : i32
    }
    %scan3A_46 = arith.constant 4 : i32
    %add3A_47 = arith.constant 512 : i32
    %add3A_48 = arith.addi %mul3A_2, %add3A_47 : i32
    "tpu.region"() ({
      %run_scoped3A = tpu.sem_alloc : memref<!tpu.dma_semaphore, #tpu.memory_space<semaphore_mem>>
      %dma_start3A = arith.constant 0 : i32
      %dma_start3A_51 = arith.constant 0 : i32
      %dma_start3A_52 = tpu.memref_slice %arg9[%dma_start3A, %dma_start3A_51] : memref<128x128xf32, #tpu.memory_space<vmem>> -> memref<120x128xf32, #tpu.memory_space<vmem>>
      %dma_start3A_53 = arith.constant 0 : i32
      %dma_start3A_54 = tpu.memref_slice %arg12[%add3A_48, %dma_start3A_53] : memref<10112x128xf32, #tpu.memory_space<vmem_shared>> -> memref<120x128xf32, #tpu.memory_space<vmem_shared>>
      %dma_start3A_55 = arith.constant 0 : i32
      %dma_start3A_56 = arith.constant 0 : i32
      %dma_start3A_57 = tpu.memref_slice %arg9[%dma_start3A_55, %dma_start3A_56] : memref<128x128xf32, #tpu.memory_space<vmem>> -> memref<120x128xf32, #tpu.memory_space<vmem>>
      %dma_start3A_58 = arith.constant 0 : i32
      %dma_start3A_59 = tpu.memref_slice %arg12[%add3A_48, %dma_start3A_58] : memref<10112x128xf32, #tpu.memory_space<vmem_shared>> -> memref<120x128xf32, #tpu.memory_space<vmem_shared>>
      tpu.enqueue_dma source(%dma_start3A_59 : memref<120x128xf32, #tpu.memory_space<vmem_shared>>) target(%dma_start3A_57 : memref<120x128xf32, #tpu.memory_space<vmem>>) target_semaphore(%run_scoped3A : memref<!tpu.dma_semaphore, #tpu.memory_space<semaphore_mem>>)
      %dma_wait3A = arith.constant 0 : i32
      %dma_wait3A_60 = arith.constant 0 : i32
      %dma_wait3A_61 = tpu.memref_slice %arg9[%dma_wait3A, %dma_wait3A_60] : memref<128x128xf32, #tpu.memory_space<vmem>> -> memref<120x128xf32, #tpu.memory_space<vmem>>
      %dma_wait3A_62 = arith.constant 0 : i32
      %dma_wait3A_63 = tpu.memref_slice %arg12[%add3A_48, %dma_wait3A_62] : memref<10112x128xf32, #tpu.memory_space<vmem_shared>> -> memref<120x128xf32, #tpu.memory_space<vmem_shared>>
      %dma_wait3A_64 = arith.constant 0 : i32
      %dma_wait3A_65 = arith.constant 0 : i32
      %dma_wait3A_66 = tpu.memref_slice %arg9[%dma_wait3A_64, %dma_wait3A_65] : memref<128x128xf32, #tpu.memory_space<vmem>> -> memref<120x128xf32, #tpu.memory_space<vmem>>
      %dma_wait3A_67 = arith.constant 0 : i32
      %dma_wait3A_68 = tpu.memref_slice %arg12[%add3A_48, %dma_wait3A_67] : memref<10112x128xf32, #tpu.memory_space<vmem_shared>> -> memref<120x128xf32, #tpu.memory_space<vmem_shared>>
      tpu.wait_dma2 semaphore(%run_scoped3A : memref<!tpu.dma_semaphore, #tpu.memory_space<semaphore_mem>>) src(%dma_wait3A_68 : memref<120x128xf32, #tpu.memory_space<vmem_shared>>) dst(%dma_wait3A_66 : memref<120x128xf32, #tpu.memory_space<vmem>>)
      tpu.yield
    }) : () -> ()
    %add3A_49 = arith.constant 512 : i32
    %add3A_50 = arith.addi %mul3A_2, %add3A_49 : i32
    "tpu.region"() ({
      %run_scoped3A = tpu.sem_alloc : memref<!tpu.dma_semaphore, #tpu.memory_space<semaphore_mem>>
      %dma_start3A = arith.constant 0 : i32
      %dma_start3A_51 = arith.constant 0 : i32
      %dma_start3A_52 = tpu.memref_slice %arg9[%dma_start3A, %dma_start3A_51] : memref<128x128xf32, #tpu.memory_space<vmem>> -> memref<120x128xf32, #tpu.memory_space<vmem>>
      %dma_start3A_53 = arith.constant 0 : i32
      %dma_start3A_54 = tpu.memref_slice %arg5[%arg0, %add3A_50, %dma_start3A_53] : memref<2x10112x128xf32, #tpu.memory_space<hbm>> -> memref<1x120x128xf32, #tpu.memory_space<hbm>>
      %dma_start3A_55 = tpu.memref_squeeze %dma_start3A_54 : memref<1x120x128xf32, #tpu.memory_space<hbm>> -> memref<120x128xf32, #tpu.memory_space<hbm>>
      %dma_start3A_56 = arith.constant 0 : i32
      %dma_start3A_57 = tpu.memref_slice %arg5[%arg0, %add3A_50, %dma_start3A_56] : memref<2x10112x128xf32, #tpu.memory_space<hbm>> -> memref<1x120x128xf32, #tpu.memory_space<hbm>>
      %dma_start3A_58 = tpu.memref_squeeze %dma_start3A_57 : memref<1x120x128xf32, #tpu.memory_space<hbm>> -> memref<120x128xf32, #tpu.memory_space<hbm>>
      %dma_start3A_59 = arith.constant 0 : i32
      %dma_start3A_60 = arith.constant 0 : i32
      %dma_start3A_61 = tpu.memref_slice %arg9[%dma_start3A_59, %dma_start3A_60] : memref<128x128xf32, #tpu.memory_space<vmem>> -> memref<120x128xf32, #tpu.memory_space<vmem>>
      tpu.enqueue_dma source(%dma_start3A_61 : memref<120x128xf32, #tpu.memory_space<vmem>>) target(%dma_start3A_58 : memref<120x128xf32, #tpu.memory_space<hbm>>) target_semaphore(%run_scoped3A : memref<!tpu.dma_semaphore, #tpu.memory_space<semaphore_mem>>)
      %dma_wait3A = arith.constant 0 : i32
      %dma_wait3A_62 = arith.constant 0 : i32
      %dma_wait3A_63 = tpu.memref_slice %arg9[%dma_wait3A, %dma_wait3A_62] : memref<128x128xf32, #tpu.memory_space<vmem>> -> memref<120x128xf32, #tpu.memory_space<vmem>>
      %dma_wait3A_64 = arith.constant 0 : i32
      %dma_wait3A_65 = tpu.memref_slice %arg5[%arg0, %add3A_50, %dma_wait3A_64] : memref<2x10112x128xf32, #tpu.memory_space<hbm>> -> memref<1x120x128xf32, #tpu.memory_space<hbm>>
      %dma_wait3A_66 = tpu.memref_squeeze %dma_wait3A_65 : memref<1x120x128xf32, #tpu.memory_space<hbm>> -> memref<120x128xf32, #tpu.memory_space<hbm>>
      %dma_wait3A_67 = arith.constant 0 : i32
      %dma_wait3A_68 = tpu.memref_slice %arg5[%arg0, %add3A_50, %dma_wait3A_67] : memref<2x10112x128xf32, #tpu.memory_space<hbm>> -> memref<1x120x128xf32, #tpu.memory_space<hbm>>
      %dma_wait3A_69 = tpu.memref_squeeze %dma_wait3A_68 : memref<1x120x128xf32, #tpu.memory_space<hbm>> -> memref<120x128xf32, #tpu.memory_space<hbm>>
      %dma_wait3A_70 = arith.constant 0 : i32
      %dma_wait3A_71 = arith.constant 0 : i32
      %dma_wait3A_72 = tpu.memref_slice %arg9[%dma_wait3A_70, %dma_wait3A_71] : memref<128x128xf32, #tpu.memory_space<vmem>> -> memref<120x128xf32, #tpu.memory_space<vmem>>
      tpu.wait_dma2 semaphore(%run_scoped3A : memref<!tpu.dma_semaphore, #tpu.memory_space<semaphore_mem>>) src(%dma_wait3A_72 : memref<120x128xf32, #tpu.memory_space<vmem>>) dst(%dma_wait3A_69 : memref<120x128xf32, #tpu.memory_space<hbm>>)
      tpu.yield
    }) : () -> ()
    "tpu.region"() ({
      %run_scoped3A = tpu.sem_alloc : memref<!tpu.dma_semaphore, #tpu.memory_space<semaphore_mem>>
      %dma_start3A = arith.constant 0 : i32
      %dma_start3A_51 = tpu.memref_slice %arg6[%add3A, %dma_start3A] : memref<32x10112xf32, #tpu.memory_space<hbm>> -> memref<1x10112xf32, #tpu.memory_space<hbm>>
      %dma_start3A_52 = tpu.memref_squeeze %dma_start3A_51 : memref<1x10112xf32, #tpu.memory_space<hbm>> -> memref<10112xf32, #tpu.memory_space<hbm>>
      %dma_start3A_53 = arith.constant 0 : i32
      %dma_start3A_54 = tpu.memref_slice %arg6[%add3A, %dma_start3A_53] : memref<32x10112xf32, #tpu.memory_space<hbm>> -> memref<1x10112xf32, #tpu.memory_space<hbm>>
      %dma_start3A_55 = tpu.memref_squeeze %dma_start3A_54 : memref<1x10112xf32, #tpu.memory_space<hbm>> -> memref<10112xf32, #tpu.memory_space<hbm>>
      tpu.enqueue_dma source(%arg13 : memref<10112xf32, #tpu.memory_space<vmem>>) target(%dma_start3A_55 : memref<10112xf32, #tpu.memory_space<hbm>>) target_semaphore(%run_scoped3A : memref<!tpu.dma_semaphore, #tpu.memory_space<semaphore_mem>>)
      %dma_wait3A = arith.constant 0 : i32
      %dma_wait3A_56 = tpu.memref_slice %arg6[%add3A, %dma_wait3A] : memref<32x10112xf32, #tpu.memory_space<hbm>> -> memref<1x10112xf32, #tpu.memory_space<hbm>>
      %dma_wait3A_57 = tpu.memref_squeeze %dma_wait3A_56 : memref<1x10112xf32, #tpu.memory_space<hbm>> -> memref<10112xf32, #tpu.memory_space<hbm>>
      %dma_wait3A_58 = arith.constant 0 : i32
      %dma_wait3A_59 = tpu.memref_slice %arg6[%add3A, %dma_wait3A_58] : memref<32x10112xf32, #tpu.memory_space<hbm>> -> memref<1x10112xf32, #tpu.memory_space<hbm>>
      %dma_wait3A_60 = tpu.memref_squeeze %dma_wait3A_59 : memref<1x10112xf32, #tpu.memory_space<hbm>> -> memref<10112xf32, #tpu.memory_space<hbm>>
      tpu.wait_dma2 semaphore(%run_scoped3A : memref<!tpu.dma_semaphore, #tpu.memory_space<semaphore_mem>>) src(%arg13 : memref<10112xf32, #tpu.memory_space<vmem>>) dst(%dma_wait3A_60 : memref<10112xf32, #tpu.memory_space<hbm>>)
      tpu.yield
    }) : () -> ()
    return
  }
}

#map = affine_map<(d0, d1) -> (0, 0)>
#map1 = affine_map<(d0, d1) -> (0)>
#map2 = affine_map<(d0, d1) -> (0, 0, 0)>
module attributes {stable_mosaic.version = 14 : i64} {
  func.func @sage_edge_agg(%arg0: i32, %arg1: i32, %arg2: memref<10000x128xf32, #tpu.memory_space<hbm>>, %arg3: memref<327680xi32, #tpu.memory_space<hbm>>, %arg4: memref<327680xi32, #tpu.memory_space<hbm>>, %arg5: memref<2x10112x128xf32, #tpu.memory_space<hbm>>, %arg6: memref<10240xi32, #tpu.memory_space<vmem>>, %arg7: memref<128xi32, #tpu.memory_space<vmem>>, %arg8: memref<128x128xf32, #tpu.memory_space<vmem>>, %arg9: memref<32x128xf32, #tpu.memory_space<vmem>>, %arg10: memref<!tpu.dma_semaphore, #tpu.memory_space<semaphore_mem>>, %arg11: memref<10112x128xf32, #tpu.memory_space<vmem_shared>>) attributes {dimension_semantics = [#tpu.dimension_semantics<core_parallel>, #tpu.dimension_semantics<subcore_parallel>], iteration_bounds = array<i64: 2, 16>, scalar_prefetch = 0 : i64, scratch_operands = 6 : i64, tpu.core_type = #tpu.core_type<sc_vector_subcore>, window_params = [{transform_indices = #map}, {transform_indices = #map1}, {transform_indices = #map1}, {transform_indices = #map2}]} {
    %mul3A = arith.constant 2 : i32
    %mul3A_0 = arith.muli %arg1, %mul3A : i32
    %add3A = arith.addi %mul3A_0, %arg0 : i32
    %mul3A_1 = arith.constant 632 : i32
    %mul3A_2 = arith.muli %arg1, %mul3A_1 : i32
    %broadcast_in_dim3A = arith.constant 0.000000e+00 : f32
    %broadcast_in_dim3A_3 = vector.broadcast %broadcast_in_dim3A : f32 to vector<16xf32>
    %broadcast_in_dim3A_4 = arith.constant 1.000000e+00 : f32
    %broadcast_in_dim3A_5 = vector.broadcast %broadcast_in_dim3A_4 : f32 to vector<16xf32>
    %scan3A = arith.constant 0 : i32
    %scan3A_6 = arith.constant 0 : i32
    %scan3A_7 = arith.constant 32 : i32
    %scan3A_8 = arith.addi %scan3A_6, %scan3A_7 : i32
    %scan3A_9 = arith.constant 1 : i32
    %scan3A_10 = scf.for %scan3A_44 = %scan3A_6 to %scan3A_8 step %scan3A_9 iter_args(%scan3A_45 = %scan3A) -> (i32)  : i32 {
      %scan3A_46 = arith.constant 0 : i32
      %scan3A_47 = arith.constant 0 : i32
      %scan3A_48 = arith.constant 8 : i32
      %scan3A_49 = arith.addi %scan3A_47, %scan3A_48 : i32
      %scan3A_50 = arith.constant 1 : i32
      %scan3A_51 = scf.for %scan3A_54 = %scan3A_47 to %scan3A_49 step %scan3A_50 iter_args(%scan3A_55 = %scan3A_46) -> (i32)  : i32 {
        %mul3A_56 = arith.constant 16 : i32
        %mul3A_57 = arith.muli %scan3A_54, %mul3A_56 : i32
        %swap3A = arith.index_cast %scan3A_44 : i32 to index
        %swap3A_58 = arith.index_cast %mul3A_57 : i32 to index
        %swap3A_59 = tpu.vector_load %arg9[%swap3A, %swap3A_58] {strides = array<i32>} : memref<32x128xf32, #tpu.memory_space<vmem>>, vector<16xf32>,
        tpu.vector_store %arg9[%swap3A, %swap3A_58], %broadcast_in_dim3A_3 {strides = array<i32>} : memref<32x128xf32, #tpu.memory_space<vmem>>, vector<16xf32>,
        %scan3A_60 = arith.constant 0 : i32
        scf.yield %scan3A_60 : i32
      }
      %scan3A_52 = arith.constant 8 : i32
      %scan3A_53 = arith.constant 0 : i32
      scf.yield %scan3A_53 : i32
    }
    %scan3A_11 = arith.constant 32 : i32
    %scan3A_12 = arith.constant 0 : i32
    %scan3A_13 = arith.constant 0 : i32
    %scan3A_14 = arith.constant 19 : i32
    %scan3A_15 = arith.addi %scan3A_13, %scan3A_14 : i32
    %scan3A_16 = arith.constant 1 : i32
    %scan3A_17 = scf.for %scan3A_44 = %scan3A_13 to %scan3A_15 step %scan3A_16 iter_args(%scan3A_45 = %scan3A_12) -> (i32)  : i32 {
      %mul3A_46 = arith.constant 32 : i32
      %mul3A_47 = arith.muli %scan3A_44, %mul3A_46 : i32
      %add3A_48 = arith.addi %mul3A_2, %mul3A_47 : i32
      "tpu.region"() ({
        %run_scoped3A = tpu.sem_alloc : memref<!tpu.dma_semaphore, #tpu.memory_space<semaphore_mem>>
        %dma_start3A = arith.constant 0 : i32
        %dma_start3A_50 = tpu.memref_slice %arg11[%add3A_48, %dma_start3A] : memref<10112x128xf32, #tpu.memory_space<vmem_shared>> -> memref<32x128xf32, #tpu.memory_space<vmem_shared>>
        %dma_start3A_51 = arith.constant 0 : i32
        %dma_start3A_52 = tpu.memref_slice %arg11[%add3A_48, %dma_start3A_51] : memref<10112x128xf32, #tpu.memory_space<vmem_shared>> -> memref<32x128xf32, #tpu.memory_space<vmem_shared>>
        tpu.enqueue_dma source(%arg9 : memref<32x128xf32, #tpu.memory_space<vmem>>) target(%dma_start3A_52 : memref<32x128xf32, #tpu.memory_space<vmem_shared>>) target_semaphore(%run_scoped3A : memref<!tpu.dma_semaphore, #tpu.memory_space<semaphore_mem>>)
        %dma_wait3A = arith.constant 0 : i32
        %dma_wait3A_53 = tpu.memref_slice %arg11[%add3A_48, %dma_wait3A] : memref<10112x128xf32, #tpu.memory_space<vmem_shared>> -> memref<32x128xf32, #tpu.memory_space<vmem_shared>>
        %dma_wait3A_54 = arith.constant 0 : i32
        %dma_wait3A_55 = tpu.memref_slice %arg11[%add3A_48, %dma_wait3A_54] : memref<10112x128xf32, #tpu.memory_space<vmem_shared>> -> memref<32x128xf32, #tpu.memory_space<vmem_shared>>
        tpu.wait_dma2 semaphore(%run_scoped3A : memref<!tpu.dma_semaphore, #tpu.memory_space<semaphore_mem>>) src(%arg9 : memref<32x128xf32, #tpu.memory_space<vmem>>) dst(%dma_wait3A_55 : memref<32x128xf32, #tpu.memory_space<vmem_shared>>)
        tpu.yield
      }) : () -> ()
      %scan3A_49 = arith.constant 0 : i32
      scf.yield %scan3A_49 : i32
    }
    %scan3A_18 = arith.constant 19 : i32
    %add3A_19 = arith.constant 608 : i32
    %add3A_20 = arith.addi %mul3A_2, %add3A_19 : i32
    "tpu.region"() ({
      %run_scoped3A = tpu.sem_alloc : memref<!tpu.dma_semaphore, #tpu.memory_space<semaphore_mem>>
      %dma_start3A = arith.constant 0 : i32
      %dma_start3A_44 = arith.constant 0 : i32
      %dma_start3A_45 = tpu.memref_slice %arg9[%dma_start3A, %dma_start3A_44] : memref<32x128xf32, #tpu.memory_space<vmem>> -> memref<24x128xf32, #tpu.memory_space<vmem>>
      %dma_start3A_46 = arith.constant 0 : i32
      %dma_start3A_47 = tpu.memref_slice %arg11[%add3A_20, %dma_start3A_46] : memref<10112x128xf32, #tpu.memory_space<vmem_shared>> -> memref<24x128xf32, #tpu.memory_space<vmem_shared>>
      %dma_start3A_48 = arith.constant 0 : i32
      %dma_start3A_49 = tpu.memref_slice %arg11[%add3A_20, %dma_start3A_48] : memref<10112x128xf32, #tpu.memory_space<vmem_shared>> -> memref<24x128xf32, #tpu.memory_space<vmem_shared>>
      %dma_start3A_50 = arith.constant 0 : i32
      %dma_start3A_51 = arith.constant 0 : i32
      %dma_start3A_52 = tpu.memref_slice %arg9[%dma_start3A_50, %dma_start3A_51] : memref<32x128xf32, #tpu.memory_space<vmem>> -> memref<24x128xf32, #tpu.memory_space<vmem>>
      tpu.enqueue_dma source(%dma_start3A_52 : memref<24x128xf32, #tpu.memory_space<vmem>>) target(%dma_start3A_49 : memref<24x128xf32, #tpu.memory_space<vmem_shared>>) target_semaphore(%run_scoped3A : memref<!tpu.dma_semaphore, #tpu.memory_space<semaphore_mem>>)
      %dma_wait3A = arith.constant 0 : i32
      %dma_wait3A_53 = arith.constant 0 : i32
      %dma_wait3A_54 = tpu.memref_slice %arg9[%dma_wait3A, %dma_wait3A_53] : memref<32x128xf32, #tpu.memory_space<vmem>> -> memref<24x128xf32, #tpu.memory_space<vmem>>
      %dma_wait3A_55 = arith.constant 0 : i32
      %dma_wait3A_56 = tpu.memref_slice %arg11[%add3A_20, %dma_wait3A_55] : memref<10112x128xf32, #tpu.memory_space<vmem_shared>> -> memref<24x128xf32, #tpu.memory_space<vmem_shared>>
      %dma_wait3A_57 = arith.constant 0 : i32
      %dma_wait3A_58 = tpu.memref_slice %arg11[%add3A_20, %dma_wait3A_57] : memref<10112x128xf32, #tpu.memory_space<vmem_shared>> -> memref<24x128xf32, #tpu.memory_space<vmem_shared>>
      %dma_wait3A_59 = arith.constant 0 : i32
      %dma_wait3A_60 = arith.constant 0 : i32
      %dma_wait3A_61 = tpu.memref_slice %arg9[%dma_wait3A_59, %dma_wait3A_60] : memref<32x128xf32, #tpu.memory_space<vmem>> -> memref<24x128xf32, #tpu.memory_space<vmem>>
      tpu.wait_dma2 semaphore(%run_scoped3A : memref<!tpu.dma_semaphore, #tpu.memory_space<semaphore_mem>>) src(%dma_wait3A_61 : memref<24x128xf32, #tpu.memory_space<vmem>>) dst(%dma_wait3A_58 : memref<24x128xf32, #tpu.memory_space<vmem_shared>>)
      tpu.yield
    }) : () -> ()
    %mul3A_21 = arith.constant 80 : i32
    %mul3A_22 = arith.muli %add3A, %mul3A_21 : i32
    %mul3A_23 = arith.constant 128 : i32
    %mul3A_24 = arith.muli %mul3A_22, %mul3A_23 : i32
    "tpu.region"() ({
      %run_scoped3A = tpu.sem_alloc : memref<!tpu.dma_semaphore, #tpu.memory_space<semaphore_mem>>
      %dma_start3A = tpu.memref_slice %arg3[%mul3A_24] : memref<327680xi32, #tpu.memory_space<hbm>> -> memref<10240xi32, #tpu.memory_space<hbm>>
      %dma_start3A_44 = tpu.memref_slice %arg3[%mul3A_24] : memref<327680xi32, #tpu.memory_space<hbm>> -> memref<10240xi32, #tpu.memory_space<hbm>>
      tpu.enqueue_dma source(%dma_start3A_44 : memref<10240xi32, #tpu.memory_space<hbm>>) target(%arg6 : memref<10240xi32, #tpu.memory_space<vmem>>) target_semaphore(%run_scoped3A : memref<!tpu.dma_semaphore, #tpu.memory_space<semaphore_mem>>)
      %dma_wait3A = tpu.memref_slice %arg3[%mul3A_24] : memref<327680xi32, #tpu.memory_space<hbm>> -> memref<10240xi32, #tpu.memory_space<hbm>>
      %dma_wait3A_45 = tpu.memref_slice %arg3[%mul3A_24] : memref<327680xi32, #tpu.memory_space<hbm>> -> memref<10240xi32, #tpu.memory_space<hbm>>
      tpu.wait_dma2 semaphore(%run_scoped3A : memref<!tpu.dma_semaphore, #tpu.memory_space<semaphore_mem>>) src(%dma_wait3A_45 : memref<10240xi32, #tpu.memory_space<hbm>>) dst(%arg6 : memref<10240xi32, #tpu.memory_space<vmem>>)
      tpu.yield
    }) : () -> ()
    %barrier3A = arith.constant 0 : index
    tpu.barrier barrier_id(%barrier3A)
    %scan3A_25 = arith.constant 0 : i32
    %scan3A_26 = arith.constant 0 : i32
    %scan3A_27 = arith.constant 80 : i32
    %scan3A_28 = arith.addi %scan3A_26, %scan3A_27 : i32
    %scan3A_29 = arith.constant 1 : i32
    %scan3A_30 = scf.for %scan3A_44 = %scan3A_26 to %scan3A_28 step %scan3A_29 iter_args(%scan3A_45 = %scan3A_25) -> (i32)  : i32 {
      %mul3A_46 = arith.constant 128 : i32
      %mul3A_47 = arith.muli %scan3A_44, %mul3A_46 : i32
      %dma_start3A = tpu.memref_slice %arg6[%mul3A_47] : memref<10240xi32, #tpu.memory_space<vmem>> -> memref<128xi32, #tpu.memory_space<vmem>>
      %dma_start3A_48 = arith.constant 0 : i32
      %dma_start3A_49 = arith.constant 0 : i32
      %dma_start3A_50 = tpu.memref_slice %arg2[%dma_start3A_48, %dma_start3A_49] : memref<10000x128xf32, #tpu.memory_space<hbm>> -> memref<10000x128xf32, #tpu.memory_space<hbm>>
      tpu.enqueue_indirect_dma source(%dma_start3A_50 : memref<10000x128xf32, #tpu.memory_space<hbm>>) target(%arg8 : memref<128x128xf32, #tpu.memory_space<vmem>>) offsets(%dma_start3A : memref<128xi32, #tpu.memory_space<vmem>>) semaphore(%arg10 : memref<!tpu.dma_semaphore, #tpu.memory_space<semaphore_mem>>)
      %mul3A_51 = arith.constant 128 : i32
      %mul3A_52 = arith.muli %scan3A_44, %mul3A_51 : i32
      %add3A_53 = arith.addi %mul3A_24, %mul3A_52 : i32
      "tpu.region"() ({
        %run_scoped3A = tpu.sem_alloc : memref<!tpu.dma_semaphore, #tpu.memory_space<semaphore_mem>>
        %dma_start3A_58 = tpu.memref_slice %arg4[%add3A_53] : memref<327680xi32, #tpu.memory_space<hbm>> -> memref<128xi32, #tpu.memory_space<hbm>>
        %dma_start3A_59 = tpu.memref_slice %arg4[%add3A_53] : memref<327680xi32, #tpu.memory_space<hbm>> -> memref<128xi32, #tpu.memory_space<hbm>>
        tpu.enqueue_dma source(%dma_start3A_59 : memref<128xi32, #tpu.memory_space<hbm>>) target(%arg7 : memref<128xi32, #tpu.memory_space<vmem>>) target_semaphore(%run_scoped3A : memref<!tpu.dma_semaphore, #tpu.memory_space<semaphore_mem>>)
        %dma_wait3A_60 = tpu.memref_slice %arg4[%add3A_53] : memref<327680xi32, #tpu.memory_space<hbm>> -> memref<128xi32, #tpu.memory_space<hbm>>
        %dma_wait3A_61 = tpu.memref_slice %arg4[%add3A_53] : memref<327680xi32, #tpu.memory_space<hbm>> -> memref<128xi32, #tpu.memory_space<hbm>>
        tpu.wait_dma2 semaphore(%run_scoped3A : memref<!tpu.dma_semaphore, #tpu.memory_space<semaphore_mem>>) src(%dma_wait3A_61 : memref<128xi32, #tpu.memory_space<hbm>>) dst(%arg7 : memref<128xi32, #tpu.memory_space<vmem>>)
        tpu.yield
      }) : () -> ()
      %dma_wait3A = tpu.memref_slice %arg6[%mul3A_47] : memref<10240xi32, #tpu.memory_space<vmem>> -> memref<128xi32, #tpu.memory_space<vmem>>
      %dma_wait3A_54 = arith.constant 0 : i32
      %dma_wait3A_55 = arith.constant 0 : i32
      %dma_wait3A_56 = tpu.memref_slice %arg2[%dma_wait3A_54, %dma_wait3A_55] : memref<10000x128xf32, #tpu.memory_space<hbm>> -> memref<10000x128xf32, #tpu.memory_space<hbm>>
      tpu.wait_indirect_dma semaphore(%arg10 : memref<!tpu.dma_semaphore, #tpu.memory_space<semaphore_mem>>) src(%dma_wait3A_56 : memref<10000x128xf32, #tpu.memory_space<hbm>>) dst(%arg8 : memref<128x128xf32, #tpu.memory_space<vmem>>)
      "tpu.region"() ({
        %run_scoped3A = tpu.sem_alloc : memref<!tpu.dma_semaphore, #tpu.memory_space<semaphore_mem>>
        %dma_start3A_58 = arith.constant 0 : i32
        %dma_start3A_59 = arith.constant 0 : i32
        %dma_start3A_60 = tpu.memref_slice %arg11[%dma_start3A_58, %dma_start3A_59] : memref<10112x128xf32, #tpu.memory_space<vmem_shared>> -> memref<10112x128xf32, #tpu.memory_space<vmem_shared>>
        tpu.enqueue_indirect_dma source(%arg8 : memref<128x128xf32, #tpu.memory_space<vmem>>) target(%dma_start3A_60 : memref<10112x128xf32, #tpu.memory_space<vmem_shared>>) offsets(%arg7 : memref<128xi32, #tpu.memory_space<vmem>>) semaphore(%run_scoped3A : memref<!tpu.dma_semaphore, #tpu.memory_space<semaphore_mem>>) {add = true}
        %dma_wait3A_61 = arith.constant 0 : i32
        %dma_wait3A_62 = arith.constant 0 : i32
        %dma_wait3A_63 = tpu.memref_slice %arg11[%dma_wait3A_61, %dma_wait3A_62] : memref<10112x128xf32, #tpu.memory_space<vmem_shared>> -> memref<10112x128xf32, #tpu.memory_space<vmem_shared>>
        tpu.wait_indirect_dma semaphore(%run_scoped3A : memref<!tpu.dma_semaphore, #tpu.memory_space<semaphore_mem>>) src(%arg8 : memref<128x128xf32, #tpu.memory_space<vmem>>) dst(%dma_wait3A_63 : memref<10112x128xf32, #tpu.memory_space<vmem_shared>>)
        tpu.yield
      }) : () -> ()
      %scan3A_57 = arith.constant 0 : i32
      scf.yield %scan3A_57 : i32
    }
    %scan3A_31 = arith.constant 80 : i32
    %barrier3A_32 = arith.constant 0 : index
    tpu.barrier barrier_id(%barrier3A_32)
    %scan3A_33 = arith.constant 0 : i32
    %scan3A_34 = arith.constant 0 : i32
    %scan3A_35 = arith.constant 4 : i32
    %scan3A_36 = arith.addi %scan3A_34, %scan3A_35 : i32
    %scan3A_37 = arith.constant 1 : i32
    %scan3A_38 = scf.for %scan3A_44 = %scan3A_34 to %scan3A_36 step %scan3A_37 iter_args(%scan3A_45 = %scan3A_33) -> (i32)  : i32 {
      %mul3A_46 = arith.constant 128 : i32
      %mul3A_47 = arith.muli %scan3A_44, %mul3A_46 : i32
      %add3A_48 = arith.addi %mul3A_2, %mul3A_47 : i32
      "tpu.region"() ({
        %run_scoped3A = tpu.sem_alloc : memref<!tpu.dma_semaphore, #tpu.memory_space<semaphore_mem>>
        %dma_start3A = arith.constant 0 : i32
        %dma_start3A_50 = tpu.memref_slice %arg11[%add3A_48, %dma_start3A] : memref<10112x128xf32, #tpu.memory_space<vmem_shared>> -> memref<128x128xf32, #tpu.memory_space<vmem_shared>>
        %dma_start3A_51 = arith.constant 0 : i32
        %dma_start3A_52 = tpu.memref_slice %arg11[%add3A_48, %dma_start3A_51] : memref<10112x128xf32, #tpu.memory_space<vmem_shared>> -> memref<128x128xf32, #tpu.memory_space<vmem_shared>>
        tpu.enqueue_dma source(%dma_start3A_52 : memref<128x128xf32, #tpu.memory_space<vmem_shared>>) target(%arg8 : memref<128x128xf32, #tpu.memory_space<vmem>>) target_semaphore(%run_scoped3A : memref<!tpu.dma_semaphore, #tpu.memory_space<semaphore_mem>>)
        %dma_wait3A = arith.constant 0 : i32
        %dma_wait3A_53 = tpu.memref_slice %arg11[%add3A_48, %dma_wait3A] : memref<10112x128xf32, #tpu.memory_space<vmem_shared>> -> memref<128x128xf32, #tpu.memory_space<vmem_shared>>
        %dma_wait3A_54 = arith.constant 0 : i32
        %dma_wait3A_55 = tpu.memref_slice %arg11[%add3A_48, %dma_wait3A_54] : memref<10112x128xf32, #tpu.memory_space<vmem_shared>> -> memref<128x128xf32, #tpu.memory_space<vmem_shared>>
        tpu.wait_dma2 semaphore(%run_scoped3A : memref<!tpu.dma_semaphore, #tpu.memory_space<semaphore_mem>>) src(%dma_wait3A_55 : memref<128x128xf32, #tpu.memory_space<vmem_shared>>) dst(%arg8 : memref<128x128xf32, #tpu.memory_space<vmem>>)
        tpu.yield
      }) : () -> ()
      "tpu.region"() ({
        %run_scoped3A = tpu.sem_alloc : memref<!tpu.dma_semaphore, #tpu.memory_space<semaphore_mem>>
        %dma_start3A = arith.constant 0 : i32
        %dma_start3A_50 = tpu.memref_slice %arg5[%arg0, %add3A_48, %dma_start3A] : memref<2x10112x128xf32, #tpu.memory_space<hbm>> -> memref<1x128x128xf32, #tpu.memory_space<hbm>>
        %dma_start3A_51 = tpu.memref_squeeze %dma_start3A_50 : memref<1x128x128xf32, #tpu.memory_space<hbm>> -> memref<128x128xf32, #tpu.memory_space<hbm>>
        %dma_start3A_52 = arith.constant 0 : i32
        %dma_start3A_53 = tpu.memref_slice %arg5[%arg0, %add3A_48, %dma_start3A_52] : memref<2x10112x128xf32, #tpu.memory_space<hbm>> -> memref<1x128x128xf32, #tpu.memory_space<hbm>>
        %dma_start3A_54 = tpu.memref_squeeze %dma_start3A_53 : memref<1x128x128xf32, #tpu.memory_space<hbm>> -> memref<128x128xf32, #tpu.memory_space<hbm>>
        tpu.enqueue_dma source(%arg8 : memref<128x128xf32, #tpu.memory_space<vmem>>) target(%dma_start3A_54 : memref<128x128xf32, #tpu.memory_space<hbm>>) target_semaphore(%run_scoped3A : memref<!tpu.dma_semaphore, #tpu.memory_space<semaphore_mem>>)
        %dma_wait3A = arith.constant 0 : i32
        %dma_wait3A_55 = tpu.memref_slice %arg5[%arg0, %add3A_48, %dma_wait3A] : memref<2x10112x128xf32, #tpu.memory_space<hbm>> -> memref<1x128x128xf32, #tpu.memory_space<hbm>>
        %dma_wait3A_56 = tpu.memref_squeeze %dma_wait3A_55 : memref<1x128x128xf32, #tpu.memory_space<hbm>> -> memref<128x128xf32, #tpu.memory_space<hbm>>
        %dma_wait3A_57 = arith.constant 0 : i32
        %dma_wait3A_58 = tpu.memref_slice %arg5[%arg0, %add3A_48, %dma_wait3A_57] : memref<2x10112x128xf32, #tpu.memory_space<hbm>> -> memref<1x128x128xf32, #tpu.memory_space<hbm>>
        %dma_wait3A_59 = tpu.memref_squeeze %dma_wait3A_58 : memref<1x128x128xf32, #tpu.memory_space<hbm>> -> memref<128x128xf32, #tpu.memory_space<hbm>>
        tpu.wait_dma2 semaphore(%run_scoped3A : memref<!tpu.dma_semaphore, #tpu.memory_space<semaphore_mem>>) src(%arg8 : memref<128x128xf32, #tpu.memory_space<vmem>>) dst(%dma_wait3A_59 : memref<128x128xf32, #tpu.memory_space<hbm>>)
        tpu.yield
      }) : () -> ()
      %scan3A_49 = arith.constant 0 : i32
      scf.yield %scan3A_49 : i32
    }
    %scan3A_39 = arith.constant 4 : i32
    %add3A_40 = arith.constant 512 : i32
    %add3A_41 = arith.addi %mul3A_2, %add3A_40 : i32
    "tpu.region"() ({
      %run_scoped3A = tpu.sem_alloc : memref<!tpu.dma_semaphore, #tpu.memory_space<semaphore_mem>>
      %dma_start3A = arith.constant 0 : i32
      %dma_start3A_44 = arith.constant 0 : i32
      %dma_start3A_45 = tpu.memref_slice %arg8[%dma_start3A, %dma_start3A_44] : memref<128x128xf32, #tpu.memory_space<vmem>> -> memref<120x128xf32, #tpu.memory_space<vmem>>
      %dma_start3A_46 = arith.constant 0 : i32
      %dma_start3A_47 = tpu.memref_slice %arg11[%add3A_41, %dma_start3A_46] : memref<10112x128xf32, #tpu.memory_space<vmem_shared>> -> memref<120x128xf32, #tpu.memory_space<vmem_shared>>
      %dma_start3A_48 = arith.constant 0 : i32
      %dma_start3A_49 = arith.constant 0 : i32
      %dma_start3A_50 = tpu.memref_slice %arg8[%dma_start3A_48, %dma_start3A_49] : memref<128x128xf32, #tpu.memory_space<vmem>> -> memref<120x128xf32, #tpu.memory_space<vmem>>
      %dma_start3A_51 = arith.constant 0 : i32
      %dma_start3A_52 = tpu.memref_slice %arg11[%add3A_41, %dma_start3A_51] : memref<10112x128xf32, #tpu.memory_space<vmem_shared>> -> memref<120x128xf32, #tpu.memory_space<vmem_shared>>
      tpu.enqueue_dma source(%dma_start3A_52 : memref<120x128xf32, #tpu.memory_space<vmem_shared>>) target(%dma_start3A_50 : memref<120x128xf32, #tpu.memory_space<vmem>>) target_semaphore(%run_scoped3A : memref<!tpu.dma_semaphore, #tpu.memory_space<semaphore_mem>>)
      %dma_wait3A = arith.constant 0 : i32
      %dma_wait3A_53 = arith.constant 0 : i32
      %dma_wait3A_54 = tpu.memref_slice %arg8[%dma_wait3A, %dma_wait3A_53] : memref<128x128xf32, #tpu.memory_space<vmem>> -> memref<120x128xf32, #tpu.memory_space<vmem>>
      %dma_wait3A_55 = arith.constant 0 : i32
      %dma_wait3A_56 = tpu.memref_slice %arg11[%add3A_41, %dma_wait3A_55] : memref<10112x128xf32, #tpu.memory_space<vmem_shared>> -> memref<120x128xf32, #tpu.memory_space<vmem_shared>>
      %dma_wait3A_57 = arith.constant 0 : i32
      %dma_wait3A_58 = arith.constant 0 : i32
      %dma_wait3A_59 = tpu.memref_slice %arg8[%dma_wait3A_57, %dma_wait3A_58] : memref<128x128xf32, #tpu.memory_space<vmem>> -> memref<120x128xf32, #tpu.memory_space<vmem>>
      %dma_wait3A_60 = arith.constant 0 : i32
      %dma_wait3A_61 = tpu.memref_slice %arg11[%add3A_41, %dma_wait3A_60] : memref<10112x128xf32, #tpu.memory_space<vmem_shared>> -> memref<120x128xf32, #tpu.memory_space<vmem_shared>>
      tpu.wait_dma2 semaphore(%run_scoped3A : memref<!tpu.dma_semaphore, #tpu.memory_space<semaphore_mem>>) src(%dma_wait3A_61 : memref<120x128xf32, #tpu.memory_space<vmem_shared>>) dst(%dma_wait3A_59 : memref<120x128xf32, #tpu.memory_space<vmem>>)
      tpu.yield
    }) : () -> ()
    %add3A_42 = arith.constant 512 : i32
    %add3A_43 = arith.addi %mul3A_2, %add3A_42 : i32
    "tpu.region"() ({
      %run_scoped3A = tpu.sem_alloc : memref<!tpu.dma_semaphore, #tpu.memory_space<semaphore_mem>>
      %dma_start3A = arith.constant 0 : i32
      %dma_start3A_44 = arith.constant 0 : i32
      %dma_start3A_45 = tpu.memref_slice %arg8[%dma_start3A, %dma_start3A_44] : memref<128x128xf32, #tpu.memory_space<vmem>> -> memref<120x128xf32, #tpu.memory_space<vmem>>
      %dma_start3A_46 = arith.constant 0 : i32
      %dma_start3A_47 = tpu.memref_slice %arg5[%arg0, %add3A_43, %dma_start3A_46] : memref<2x10112x128xf32, #tpu.memory_space<hbm>> -> memref<1x120x128xf32, #tpu.memory_space<hbm>>
      %dma_start3A_48 = tpu.memref_squeeze %dma_start3A_47 : memref<1x120x128xf32, #tpu.memory_space<hbm>> -> memref<120x128xf32, #tpu.memory_space<hbm>>
      %dma_start3A_49 = arith.constant 0 : i32
      %dma_start3A_50 = tpu.memref_slice %arg5[%arg0, %add3A_43, %dma_start3A_49] : memref<2x10112x128xf32, #tpu.memory_space<hbm>> -> memref<1x120x128xf32, #tpu.memory_space<hbm>>
      %dma_start3A_51 = tpu.memref_squeeze %dma_start3A_50 : memref<1x120x128xf32, #tpu.memory_space<hbm>> -> memref<120x128xf32, #tpu.memory_space<hbm>>
      %dma_start3A_52 = arith.constant 0 : i32
      %dma_start3A_53 = arith.constant 0 : i32
      %dma_start3A_54 = tpu.memref_slice %arg8[%dma_start3A_52, %dma_start3A_53] : memref<128x128xf32, #tpu.memory_space<vmem>> -> memref<120x128xf32, #tpu.memory_space<vmem>>
      tpu.enqueue_dma source(%dma_start3A_54 : memref<120x128xf32, #tpu.memory_space<vmem>>) target(%dma_start3A_51 : memref<120x128xf32, #tpu.memory_space<hbm>>) target_semaphore(%run_scoped3A : memref<!tpu.dma_semaphore, #tpu.memory_space<semaphore_mem>>)
      %dma_wait3A = arith.constant 0 : i32
      %dma_wait3A_55 = arith.constant 0 : i32
      %dma_wait3A_56 = tpu.memref_slice %arg8[%dma_wait3A, %dma_wait3A_55] : memref<128x128xf32, #tpu.memory_space<vmem>> -> memref<120x128xf32, #tpu.memory_space<vmem>>
      %dma_wait3A_57 = arith.constant 0 : i32
      %dma_wait3A_58 = tpu.memref_slice %arg5[%arg0, %add3A_43, %dma_wait3A_57] : memref<2x10112x128xf32, #tpu.memory_space<hbm>> -> memref<1x120x128xf32, #tpu.memory_space<hbm>>
      %dma_wait3A_59 = tpu.memref_squeeze %dma_wait3A_58 : memref<1x120x128xf32, #tpu.memory_space<hbm>> -> memref<120x128xf32, #tpu.memory_space<hbm>>
      %dma_wait3A_60 = arith.constant 0 : i32
      %dma_wait3A_61 = tpu.memref_slice %arg5[%arg0, %add3A_43, %dma_wait3A_60] : memref<2x10112x128xf32, #tpu.memory_space<hbm>> -> memref<1x120x128xf32, #tpu.memory_space<hbm>>
      %dma_wait3A_62 = tpu.memref_squeeze %dma_wait3A_61 : memref<1x120x128xf32, #tpu.memory_space<hbm>> -> memref<120x128xf32, #tpu.memory_space<hbm>>
      %dma_wait3A_63 = arith.constant 0 : i32
      %dma_wait3A_64 = arith.constant 0 : i32
      %dma_wait3A_65 = tpu.memref_slice %arg8[%dma_wait3A_63, %dma_wait3A_64] : memref<128x128xf32, #tpu.memory_space<vmem>> -> memref<120x128xf32, #tpu.memory_space<vmem>>
      tpu.wait_dma2 semaphore(%run_scoped3A : memref<!tpu.dma_semaphore, #tpu.memory_space<semaphore_mem>>) src(%dma_wait3A_65 : memref<120x128xf32, #tpu.memory_space<vmem>>) dst(%dma_wait3A_62 : memref<120x128xf32, #tpu.memory_space<hbm>>)
      tpu.yield
    }) : () -> ()
    return
  }
}

module attributes {stable_mosaic.version = 14 : i64} {
  func.func @_combine_body(%arg0: i32, %arg1: memref<2x400x128xf32, #tpu.memory_space<vmem>>, %arg2: memref<400x32xf32, #tpu.memory_space<vmem>>, %arg3: memref<400x128xf32, #tpu.memory_space<vmem>>, %arg4: memref<128x128xf32, #tpu.memory_space<vmem>>, %arg5: memref<128x128xf32, #tpu.memory_space<vmem>>, %arg6: memref<1x128xf32, #tpu.memory_space<vmem>>, %arg7: memref<400x128xf32, #tpu.memory_space<vmem>>) attributes {dimension_semantics = [#tpu.dimension_semantics<arbitrary>], iteration_bounds = array<i64: 25>, scalar_prefetch = 0 : i64, scratch_operands = 0 : i64, tpu.core_type = #tpu.core_type<tc>, window_params = [{transform_indices = @transform_0, window_bounds = array<i64: 2, 400, 128>}, {transform_indices = @transform_1, window_bounds = array<i64: 400, 32>}, {transform_indices = @transform_2, window_bounds = array<i64: 400, 128>}, {pipeline_mode = #tpu.pipeline_mode<synchronous>, transform_indices = @transform_3, window_bounds = array<i64: 128, 128>}, {pipeline_mode = #tpu.pipeline_mode<synchronous>, transform_indices = @transform_4, window_bounds = array<i64: 128, 128>}, {pipeline_mode = #tpu.pipeline_mode<synchronous>, transform_indices = @transform_5, window_bounds = array<i64: 1, 128>}, {transform_indices = @transform_6, window_bounds = array<i64: 400, 128>}]} {
    %get3A = arith.constant 0 : index
    %get3A_0 = arith.constant 0 : index
    %get3A_1 = arith.constant 0 : index
    %get3A_2 = vector.load %arg1[%get3A, %get3A_0, %get3A_1] : memref<2x400x128xf32, #tpu.memory_space<vmem>>, vector<1x400x128xf32>
    %get3A_3 = vector.shape_cast %get3A_2 : vector<1x400x128xf32> to vector<400x128xf32>
    %get3A_4 = arith.constant 1 : index
    %get3A_5 = arith.constant 0 : index
    %get3A_6 = arith.constant 0 : index
    %get3A_7 = vector.load %arg1[%get3A_4, %get3A_5, %get3A_6] : memref<2x400x128xf32, #tpu.memory_space<vmem>>, vector<1x400x128xf32>
    %get3A_8 = vector.shape_cast %get3A_7 : vector<1x400x128xf32> to vector<400x128xf32>
    %add3A = arith.addf %get3A_3, %get3A_8 : vector<400x128xf32>
    %get3A_9 = arith.constant 0 : index
    %get3A_10 = arith.constant 0 : index
    %get3A_11 = vector.load %arg2[%get3A_9, %get3A_10] : memref<400x32xf32, #tpu.memory_space<vmem>>, vector<400x32xf32>
    %reduce_sum3A = arith.constant dense<0.000000e+00> : vector<400xf32>
    %reduce_sum3A_12 = vector.multi_reduction <add>, %get3A_11, %reduce_sum3A [1] : vector<400x32xf32> to vector<400xf32>
    %broadcast_in_dim3A = vector.shape_cast %reduce_sum3A_12 : vector<400xf32> to vector<400x1xf32>
    %max3A = arith.constant 1.000000e+00 : f32
    %max3A_13 = vector.broadcast %max3A : f32 to vector<400x1xf32>
    %max3A_14 = arith.maximumf %broadcast_in_dim3A, %max3A_13 : vector<400x1xf32>
    %div3A = vector.broadcast %max3A_14 : vector<400x1xf32> to vector<400x128xf32>
    %div3A_15 = arith.divf %add3A, %div3A : vector<400x128xf32>
    %get3A_16 = arith.constant 0 : index
    %get3A_17 = arith.constant 0 : index
    %get3A_18 = vector.load %arg4[%get3A_16, %get3A_17] : memref<128x128xf32, #tpu.memory_space<vmem>>, vector<128x128xf32>
    %dot_general3A = arith.constant dense<0.000000e+00> : vector<400x128xf32>
    %dot_general3A_19 = tpu.matmul %div3A_15, %get3A_18, %dot_general3A {dimension_numbers = #tpu.dot_dimension_numbers<[1], [0], [0], [1], [0, 0, 1, 1], [], []>, transpose_lhs_hint = false} : vector<400x128xf32>, vector<128x128xf32>, vector<400x128xf32> -> vector<400x128xf32>
    %get3A_20 = arith.constant 0 : index
    %get3A_21 = arith.constant 0 : index
    %get3A_22 = vector.load %arg3[%get3A_20, %get3A_21] : memref<400x128xf32, #tpu.memory_space<vmem>>, vector<400x128xf32>
    %get3A_23 = arith.constant 0 : index
    %get3A_24 = arith.constant 0 : index
    %get3A_25 = vector.load %arg5[%get3A_23, %get3A_24] : memref<128x128xf32, #tpu.memory_space<vmem>>, vector<128x128xf32>
    %dot_general3A_26 = arith.constant dense<0.000000e+00> : vector<400x128xf32>
    %dot_general3A_27 = tpu.matmul %get3A_22, %get3A_25, %dot_general3A_26 {dimension_numbers = #tpu.dot_dimension_numbers<[1], [0], [0], [1], [0, 0, 1, 1], [], []>, transpose_lhs_hint = false} : vector<400x128xf32>, vector<128x128xf32>, vector<400x128xf32> -> vector<400x128xf32>
    %add3A_28 = arith.addf %dot_general3A_19, %dot_general3A_27 : vector<400x128xf32>
    %get3A_29 = arith.constant 0 : index
    %get3A_30 = arith.constant 0 : index
    %get3A_31 = vector.load %arg6[%get3A_29, %get3A_30] : memref<1x128xf32, #tpu.memory_space<vmem>>, vector<1x128xf32>
    %add3A_32 = vector.broadcast %get3A_31 : vector<1x128xf32> to vector<400x128xf32>
    %add3A_33 = arith.addf %add3A_28, %add3A_32 : vector<400x128xf32>
    %max3A_34 = arith.constant 0.000000e+00 : f32
    %max3A_35 = vector.broadcast %max3A_34 : f32 to vector<400x128xf32>
    %max3A_36 = arith.maximumf %add3A_33, %max3A_35 : vector<400x128xf32>
    %swap3A = arith.constant 0 : index
    %swap3A_37 = arith.constant 0 : index
    %swap3A_38 = vector.load %arg7[%swap3A, %swap3A_37] : memref<400x128xf32, #tpu.memory_space<vmem>>, vector<400x128xf32>
    tpu.vector_store %arg7[%swap3A, %swap3A_37], %max3A_36 {strides = array<i32>} : memref<400x128xf32, #tpu.memory_space<vmem>>, vector<400x128xf32>,
    return
  }
  func.func @transform_0(%arg0: i32) -> (i32, i32, i32) {
    %c0_i32 = arith.constant 0 : i32
    %c0_i32_0 = arith.constant 0 : i32
    %c0_i32_1 = arith.constant 0 : i32
    return %c0_i32, %arg0, %c0_i32_0 : i32, i32, i32
  }
  func.func @transform_1(%arg0: i32) -> (i32, i32) {
    %c0_i32 = arith.constant 0 : i32
    %c0_i32_0 = arith.constant 0 : i32
    return %arg0, %c0_i32 : i32, i32
  }
  func.func @transform_2(%arg0: i32) -> (i32, i32) {
    %c0_i32 = arith.constant 0 : i32
    %c0_i32_0 = arith.constant 0 : i32
    return %arg0, %c0_i32 : i32, i32
  }
  func.func @transform_3(%arg0: i32) -> (i32, i32) {
    %c0_i32 = arith.constant 0 : i32
    %c0_i32_0 = arith.constant 0 : i32
    %c0_i32_1 = arith.constant 0 : i32
    return %c0_i32, %c0_i32_0 : i32, i32
  }
  func.func @transform_4(%arg0: i32) -> (i32, i32) {
    %c0_i32 = arith.constant 0 : i32
    %c0_i32_0 = arith.constant 0 : i32
    %c0_i32_1 = arith.constant 0 : i32
    return %c0_i32, %c0_i32_0 : i32, i32
  }
  func.func @transform_5(%arg0: i32) -> (i32, i32) {
    %c0_i32 = arith.constant 0 : i32
    %c0_i32_0 = arith.constant 0 : i32
    %c0_i32_1 = arith.constant 0 : i32
    return %c0_i32, %c0_i32_0 : i32, i32
  }
  func.func @transform_6(%arg0: i32) -> (i32, i32) {
    %c0_i32 = arith.constant 0 : i32
    %c0_i32_0 = arith.constant 0 : i32
    return %arg0, %c0_i32 : i32, i32
  }
}

module attributes {stable_mosaic.version = 14 : i64} {
  func.func @_combine_body(%arg0: i32, %arg1: memref<2x400x128xf32, #tpu.memory_space<vmem>>, %arg2: memref<400x32xf32, #tpu.memory_space<vmem>>, %arg3: memref<400x128xf32, #tpu.memory_space<vmem>>, %arg4: memref<128x128xf32, #tpu.memory_space<vmem>>, %arg5: memref<128x128xf32, #tpu.memory_space<vmem>>, %arg6: memref<1x128xf32, #tpu.memory_space<vmem>>, %arg7: memref<400x128xf32, #tpu.memory_space<vmem>>) attributes {dimension_semantics = [#tpu.dimension_semantics<arbitrary>], iteration_bounds = array<i64: 25>, scalar_prefetch = 0 : i64, scratch_operands = 0 : i64, tpu.core_type = #tpu.core_type<tc>, window_params = [{transform_indices = @transform_0, window_bounds = array<i64: 2, 400, 128>}, {transform_indices = @transform_1, window_bounds = array<i64: 400, 32>}, {transform_indices = @transform_2, window_bounds = array<i64: 400, 128>}, {pipeline_mode = #tpu.pipeline_mode<synchronous>, transform_indices = @transform_3, window_bounds = array<i64: 128, 128>}, {pipeline_mode = #tpu.pipeline_mode<synchronous>, transform_indices = @transform_4, window_bounds = array<i64: 128, 128>}, {pipeline_mode = #tpu.pipeline_mode<synchronous>, transform_indices = @transform_5, window_bounds = array<i64: 1, 128>}, {transform_indices = @transform_6, window_bounds = array<i64: 400, 128>}]} {
    %get3A = arith.constant 0 : index
    %get3A_0 = arith.constant 0 : index
    %get3A_1 = arith.constant 0 : index
    %get3A_2 = vector.load %arg1[%get3A, %get3A_0, %get3A_1] : memref<2x400x128xf32, #tpu.memory_space<vmem>>, vector<1x400x128xf32>
    %get3A_3 = vector.shape_cast %get3A_2 : vector<1x400x128xf32> to vector<400x128xf32>
    %get3A_4 = arith.constant 1 : index
    %get3A_5 = arith.constant 0 : index
    %get3A_6 = arith.constant 0 : index
    %get3A_7 = vector.load %arg1[%get3A_4, %get3A_5, %get3A_6] : memref<2x400x128xf32, #tpu.memory_space<vmem>>, vector<1x400x128xf32>
    %get3A_8 = vector.shape_cast %get3A_7 : vector<1x400x128xf32> to vector<400x128xf32>
    %add3A = arith.addf %get3A_3, %get3A_8 : vector<400x128xf32>
    %get3A_9 = arith.constant 0 : index
    %get3A_10 = arith.constant 0 : index
    %get3A_11 = vector.load %arg2[%get3A_9, %get3A_10] : memref<400x32xf32, #tpu.memory_space<vmem>>, vector<400x32xf32>
    %reduce_sum3A = arith.constant dense<0.000000e+00> : vector<400xf32>
    %reduce_sum3A_12 = vector.multi_reduction <add>, %get3A_11, %reduce_sum3A [1] : vector<400x32xf32> to vector<400xf32>
    %broadcast_in_dim3A = vector.shape_cast %reduce_sum3A_12 : vector<400xf32> to vector<400x1xf32>
    %max3A = arith.constant 1.000000e+00 : f32
    %max3A_13 = vector.broadcast %max3A : f32 to vector<400x1xf32>
    %max3A_14 = arith.maximumf %broadcast_in_dim3A, %max3A_13 : vector<400x1xf32>
    %div3A = vector.broadcast %max3A_14 : vector<400x1xf32> to vector<400x128xf32>
    %div3A_15 = arith.divf %add3A, %div3A : vector<400x128xf32>
    %get3A_16 = arith.constant 0 : index
    %get3A_17 = arith.constant 0 : index
    %get3A_18 = vector.load %arg4[%get3A_16, %get3A_17] : memref<128x128xf32, #tpu.memory_space<vmem>>, vector<128x128xf32>
    %dot_general3A = arith.constant dense<0.000000e+00> : vector<400x128xf32>
    %dot_general3A_19 = tpu.matmul %div3A_15, %get3A_18, %dot_general3A {dimension_numbers = #tpu.dot_dimension_numbers<[1], [0], [0], [1], [0, 0, 1, 1], [], []>, transpose_lhs_hint = false} : vector<400x128xf32>, vector<128x128xf32>, vector<400x128xf32> -> vector<400x128xf32>
    %get3A_20 = arith.constant 0 : index
    %get3A_21 = arith.constant 0 : index
    %get3A_22 = vector.load %arg3[%get3A_20, %get3A_21] : memref<400x128xf32, #tpu.memory_space<vmem>>, vector<400x128xf32>
    %get3A_23 = arith.constant 0 : index
    %get3A_24 = arith.constant 0 : index
    %get3A_25 = vector.load %arg5[%get3A_23, %get3A_24] : memref<128x128xf32, #tpu.memory_space<vmem>>, vector<128x128xf32>
    %dot_general3A_26 = arith.constant dense<0.000000e+00> : vector<400x128xf32>
    %dot_general3A_27 = tpu.matmul %get3A_22, %get3A_25, %dot_general3A_26 {dimension_numbers = #tpu.dot_dimension_numbers<[1], [0], [0], [1], [0, 0, 1, 1], [], []>, transpose_lhs_hint = false} : vector<400x128xf32>, vector<128x128xf32>, vector<400x128xf32> -> vector<400x128xf32>
    %add3A_28 = arith.addf %dot_general3A_19, %dot_general3A_27 : vector<400x128xf32>
    %get3A_29 = arith.constant 0 : index
    %get3A_30 = arith.constant 0 : index
    %get3A_31 = vector.load %arg6[%get3A_29, %get3A_30] : memref<1x128xf32, #tpu.memory_space<vmem>>, vector<1x128xf32>
    %add3A_32 = vector.broadcast %get3A_31 : vector<1x128xf32> to vector<400x128xf32>
    %add3A_33 = arith.addf %add3A_28, %add3A_32 : vector<400x128xf32>
    %swap3A = arith.constant 0 : index
    %swap3A_34 = arith.constant 0 : index
    %swap3A_35 = vector.load %arg7[%swap3A, %swap3A_34] : memref<400x128xf32, #tpu.memory_space<vmem>>, vector<400x128xf32>
    tpu.vector_store %arg7[%swap3A, %swap3A_34], %add3A_33 {strides = array<i32>} : memref<400x128xf32, #tpu.memory_space<vmem>>, vector<400x128xf32>,
    return
  }
  func.func @transform_0(%arg0: i32) -> (i32, i32, i32) {
    %c0_i32 = arith.constant 0 : i32
    %c0_i32_0 = arith.constant 0 : i32
    %c0_i32_1 = arith.constant 0 : i32
    return %c0_i32, %arg0, %c0_i32_0 : i32, i32, i32
  }
  func.func @transform_1(%arg0: i32) -> (i32, i32) {
    %c0_i32 = arith.constant 0 : i32
    %c0_i32_0 = arith.constant 0 : i32
    return %arg0, %c0_i32 : i32, i32
  }
  func.func @transform_2(%arg0: i32) -> (i32, i32) {
    %c0_i32 = arith.constant 0 : i32
    %c0_i32_0 = arith.constant 0 : i32
    return %arg0, %c0_i32 : i32, i32
  }
  func.func @transform_3(%arg0: i32) -> (i32, i32) {
    %c0_i32 = arith.constant 0 : i32
    %c0_i32_0 = arith.constant 0 : i32
    %c0_i32_1 = arith.constant 0 : i32
    return %c0_i32, %c0_i32_0 : i32, i32
  }
  func.func @transform_4(%arg0: i32) -> (i32, i32) {
    %c0_i32 = arith.constant 0 : i32
    %c0_i32_0 = arith.constant 0 : i32
    %c0_i32_1 = arith.constant 0 : i32
    return %c0_i32, %c0_i32_0 : i32, i32
  }
  func.func @transform_5(%arg0: i32) -> (i32, i32) {
    %c0_i32 = arith.constant 0 : i32
    %c0_i32_0 = arith.constant 0 : i32
    %c0_i32_1 = arith.constant 0 : i32
    return %c0_i32, %c0_i32_0 : i32, i32
  }
  func.func @transform_6(%arg0: i32) -> (i32, i32) {
    %c0_i32 = arith.constant 0 : i32
    %c0_i32_0 = arith.constant 0 : i32
    return %arg0, %c0_i32 : i32, i32
  }
}

module attributes {stable_mosaic.version = 14 : i64} {
  func.func @_pool_body(%arg0: i32, %arg1: memref<400x128xf32, #tpu.memory_space<vmem>>, %arg2: memref<1x1x400xi32, #tpu.memory_space<vmem>>, %arg3: memref<128x64xf32, #tpu.memory_space<vmem>>, %arg4: memref<1x64xf32, #tpu.memory_space<vmem>>, %arg5: memref<64x64xf32, #tpu.memory_space<vmem>>, %arg6: memref<64x128xf32, #tpu.memory_space<vmem>>, %arg7: memref<64x128xf32, #tpu.memory_space<vmem>>) attributes {dimension_semantics = [#tpu.dimension_semantics<arbitrary>], iteration_bounds = array<i64: 25>, scalar_prefetch = 0 : i64, scratch_operands = 2 : i64, tpu.core_type = #tpu.core_type<tc>, window_params = [{transform_indices = @transform_0, window_bounds = array<i64: 400, 128>}, {transform_indices = @transform_1, window_bounds = array<i64: 1, 1, 400>}, {pipeline_mode = #tpu.pipeline_mode<synchronous>, transform_indices = @transform_2, window_bounds = array<i64: 128, 64>}, {pipeline_mode = #tpu.pipeline_mode<synchronous>, transform_indices = @transform_3, window_bounds = array<i64: 1, 64>}, {pipeline_mode = #tpu.pipeline_mode<synchronous>, transform_indices = @transform_4, window_bounds = array<i64: 64, 64>}]} {
    %eq3A = arith.constant 0 : i32
    %eq3A_0 = arith.cmpi eq, %arg0, %eq3A : i32
    %convert_element_type3A = arith.extui %eq3A_0 : i1 to i32
    %cond3A = arith.constant 0 : i32
    %cond3A_1 = arith.cmpi ne, %convert_element_type3A, %cond3A : i32
    scf.if %cond3A_1 {
      %broadcast_in_dim3A_35 = arith.constant 0.000000e+00 : f32
      %broadcast_in_dim3A_36 = vector.broadcast %broadcast_in_dim3A_35 : f32 to vector<64x128xf32>
      %swap3A_37 = arith.constant 0 : index
      %swap3A_38 = arith.constant 0 : index
      %swap3A_39 = vector.load %arg6[%swap3A_37, %swap3A_38] : memref<64x128xf32, #tpu.memory_space<vmem>>, vector<64x128xf32>
      tpu.vector_store %arg6[%swap3A_37, %swap3A_38], %broadcast_in_dim3A_36 {strides = array<i32>} : memref<64x128xf32, #tpu.memory_space<vmem>>, vector<64x128xf32>,
      %broadcast_in_dim3A_40 = arith.constant 0.000000e+00 : f32
      %broadcast_in_dim3A_41 = vector.broadcast %broadcast_in_dim3A_40 : f32 to vector<64x128xf32>
      %swap3A_42 = arith.constant 0 : index
      %swap3A_43 = arith.constant 0 : index
      %swap3A_44 = vector.load %arg7[%swap3A_42, %swap3A_43] : memref<64x128xf32, #tpu.memory_space<vmem>>, vector<64x128xf32>
      tpu.vector_store %arg7[%swap3A_42, %swap3A_43], %broadcast_in_dim3A_41 {strides = array<i32>} : memref<64x128xf32, #tpu.memory_space<vmem>>, vector<64x128xf32>,
    } else {
    }
    %get3A = arith.constant 0 : index
    %get3A_2 = arith.constant 0 : index
    %get3A_3 = arith.constant 0 : index
    %get3A_4 = vector.load %arg2[%get3A, %get3A_2, %get3A_3] : memref<1x1x400xi32, #tpu.memory_space<vmem>>, vector<1x1x400xi32>
    %get3A_5 = vector.shape_cast %get3A_4 : vector<1x1x400xi32> to vector<400xi32>
    %broadcast_in_dim3A = vector.shape_cast %get3A_5 : vector<400xi32> to vector<1x400xi32>
    %iota3A = tpu.iota {dimensions = array<i32: 0>} : vector<64x400xi32>
    %eq3A_6 = vector.broadcast %broadcast_in_dim3A : vector<1x400xi32> to vector<64x400xi32>
    %eq3A_7 = arith.cmpi eq, %eq3A_6, %iota3A : vector<64x400xi32>
    %convert_element_type3A_8 = arith.extui %eq3A_7 : vector<64x400xi1> to vector<64x400xi32>
    %convert_element_type3A_9 = arith.sitofp %convert_element_type3A_8 : vector<64x400xi32> to vector<64x400xf32>
    %get3A_10 = arith.constant 0 : index
    %get3A_11 = arith.constant 0 : index
    %get3A_12 = vector.load %arg6[%get3A_10, %get3A_11] : memref<64x128xf32, #tpu.memory_space<vmem>>, vector<64x128xf32>
    %get3A_13 = arith.constant 0 : index
    %get3A_14 = arith.constant 0 : index
    %get3A_15 = vector.load %arg1[%get3A_13, %get3A_14] : memref<400x128xf32, #tpu.memory_space<vmem>>, vector<400x128xf32>
    %dot_general3A = arith.constant dense<0.000000e+00> : vector<64x128xf32>
    %dot_general3A_16 = tpu.matmul %convert_element_type3A_9, %get3A_15, %dot_general3A {dimension_numbers = #tpu.dot_dimension_numbers<[1], [0], [0], [1], [0, 0, 1, 1], [], []>, transpose_lhs_hint = false} : vector<64x400xf32>, vector<400x128xf32>, vector<64x128xf32> -> vector<64x128xf32>
    %add3A = arith.addf %get3A_12, %dot_general3A_16 : vector<64x128xf32>
    %swap3A = arith.constant 0 : index
    %swap3A_17 = arith.constant 0 : index
    %swap3A_18 = vector.load %arg6[%swap3A, %swap3A_17] : memref<64x128xf32, #tpu.memory_space<vmem>>, vector<64x128xf32>
    tpu.vector_store %arg6[%swap3A, %swap3A_17], %add3A {strides = array<i32>} : memref<64x128xf32, #tpu.memory_space<vmem>>, vector<64x128xf32>,
    %get3A_19 = arith.constant 0 : index
    %get3A_20 = arith.constant 0 : index
    %get3A_21 = vector.load %arg7[%get3A_19, %get3A_20] : memref<64x128xf32, #tpu.memory_space<vmem>>, vector<64x128xf32>
    %reduce_sum3A = arith.constant dense<0.000000e+00> : vector<64xf32>
    %reduce_sum3A_22 = vector.multi_reduction <add>, %convert_element_type3A_9, %reduce_sum3A [1] : vector<64x400xf32> to vector<64xf32>
    %broadcast_in_dim3A_23 = vector.shape_cast %reduce_sum3A_22 : vector<64xf32> to vector<64x1xf32>
    %broadcast_in_dim3A_24 = vector.shape_cast %broadcast_in_dim3A_23 : vector<64x1xf32> to vector<64x1xf32>
    %broadcast_in_dim3A_25 = vector.broadcast %broadcast_in_dim3A_24 : vector<64x1xf32> to vector<64x128xf32>
    %add3A_26 = arith.addf %get3A_21, %broadcast_in_dim3A_25 : vector<64x128xf32>
    %swap3A_27 = arith.constant 0 : index
    %swap3A_28 = arith.constant 0 : index
    %swap3A_29 = vector.load %arg7[%swap3A_27, %swap3A_28] : memref<64x128xf32, #tpu.memory_space<vmem>>, vector<64x128xf32>
    tpu.vector_store %arg7[%swap3A_27, %swap3A_28], %add3A_26 {strides = array<i32>} : memref<64x128xf32, #tpu.memory_space<vmem>>, vector<64x128xf32>,
    %eq3A_30 = arith.constant 24 : i32
    %eq3A_31 = arith.cmpi eq, %arg0, %eq3A_30 : i32
    %convert_element_type3A_32 = arith.extui %eq3A_31 : i1 to i32
    %cond3A_33 = arith.constant 0 : i32
    %cond3A_34 = arith.cmpi ne, %convert_element_type3A_32, %cond3A_33 : i32
    scf.if %cond3A_34 {
      %get3A_35 = arith.constant 0 : index
      %get3A_36 = arith.constant 0 : index
      %get3A_37 = vector.load %arg6[%get3A_35, %get3A_36] : memref<64x128xf32, #tpu.memory_space<vmem>>, vector<64x128xf32>
      %get3A_38 = arith.constant 0 : index
      %get3A_39 = arith.constant 0 : index
      %get3A_40 = vector.load %arg7[%get3A_38, %get3A_39] : memref<64x128xf32, #tpu.memory_space<vmem>>, vector<64x128xf32>
      %max3A = arith.constant 1.000000e+00 : f32
      %max3A_41 = vector.broadcast %max3A : f32 to vector<64x128xf32>
      %max3A_42 = arith.maximumf %get3A_40, %max3A_41 : vector<64x128xf32>
      %div3A = arith.divf %get3A_37, %max3A_42 : vector<64x128xf32>
      %get3A_43 = arith.constant 0 : index
      %get3A_44 = arith.constant 0 : index
      %get3A_45 = vector.load %arg3[%get3A_43, %get3A_44] : memref<128x64xf32, #tpu.memory_space<vmem>>, vector<128x64xf32>
      %dot_general3A_46 = arith.constant dense<0.000000e+00> : vector<64x64xf32>
      %dot_general3A_47 = tpu.matmul %div3A, %get3A_45, %dot_general3A_46 {dimension_numbers = #tpu.dot_dimension_numbers<[1], [0], [0], [1], [0, 0, 1, 1], [], []>, transpose_lhs_hint = false} : vector<64x128xf32>, vector<128x64xf32>, vector<64x64xf32> -> vector<64x64xf32>
      %get3A_48 = arith.constant 0 : index
      %get3A_49 = arith.constant 0 : index
      %get3A_50 = vector.load %arg4[%get3A_48, %get3A_49] : memref<1x64xf32, #tpu.memory_space<vmem>>, vector<1x64xf32>
      %add3A_51 = vector.broadcast %get3A_50 : vector<1x64xf32> to vector<64x64xf32>
      %add3A_52 = arith.addf %dot_general3A_47, %add3A_51 : vector<64x64xf32>
      %swap3A_53 = arith.constant 0 : index
      %swap3A_54 = arith.constant 0 : index
      %swap3A_55 = vector.load %arg5[%swap3A_53, %swap3A_54] : memref<64x64xf32, #tpu.memory_space<vmem>>, vector<64x64xf32>
      tpu.vector_store %arg5[%swap3A_53, %swap3A_54], %add3A_52 {strides = array<i32>} : memref<64x64xf32, #tpu.memory_space<vmem>>, vector<64x64xf32>,
    } else {
    }
    return
  }
  func.func @transform_0(%arg0: i32) -> (i32, i32) {
    %c0_i32 = arith.constant 0 : i32
    %c0_i32_0 = arith.constant 0 : i32
    return %arg0, %c0_i32 : i32, i32
  }
  func.func @transform_1(%arg0: i32) -> (i32, i32, i32) {
    %c0_i32 = arith.constant 0 : i32
    %c0_i32_0 = arith.constant 0 : i32
    %c0_i32_1 = arith.constant 0 : i32
    return %arg0, %c0_i32, %c0_i32_0 : i32, i32, i32
  }
  func.func @transform_2(%arg0: i32) -> (i32, i32) {
    %c0_i32 = arith.constant 0 : i32
    %c0_i32_0 = arith.constant 0 : i32
    %c0_i32_1 = arith.constant 0 : i32
    return %c0_i32, %c0_i32_0 : i32, i32
  }
  func.func @transform_3(%arg0: i32) -> (i32, i32) {
    %c0_i32 = arith.constant 0 : i32
    %c0_i32_0 = arith.constant 0 : i32
    %c0_i32_1 = arith.constant 0 : i32
    return %c0_i32, %c0_i32_0 : i32, i32
  }
  func.func @transform_4(%arg0: i32) -> (i32, i32) {
    %c0_i32 = arith.constant 0 : i32
    %c0_i32_0 = arith.constant 0 : i32
    %c0_i32_1 = arith.constant 0 : i32
    return %c0_i32, %c0_i32_0 : i32, i32
  }
}

</mosaic_0001>

<sc_bundles>
// kernel: sage_edge_agg.3.cloned.1.call-start
scs
__scs_entry_jumppad:
0x0: {  	(pc) =	sbr.rel $0x88, $3  }
0x1: {  	(tag) =	ssettag $0x0;
	lr =	simm.s32 $0x1  }
0x2: {  	[smem:$0x3F96] =	sst lr;
	_ =	strace $0xD0000000  }
0x3: {  	_ = 	snop  }
0x4: {  	_ = 	snop  }
0x5: {  	_ = 	snop  }
0x6: {  	_ = 	snop  }
0x7: {  	_ = 	snop  }
__scs_overlays_trampoline_lowered:
0x8: {  	[smem:$0x3FA5] =	sst s0  }
0x9: {  	[smem:$0x3FA6] =	sst s1  }
0xa: {  	[smem:$0x3FA7] =	sst s2  }
0xb: {  	[smem:$0x3FA8] =	sst s3  }
0xc: {  	[smem:$0x3FA9] =	sst s4  }
0xd: {  	[smem:$0x3FAA] =	sst s5  }
0xe: {  	[smem:$0x3FAB] =	sst s6  }
0xf: {  	[smem:$0x3FAC] =	sst s7  }
0x10: {  	[smem:$0x3FAD] =	sst s8  }
0x11: {  	[smem:$0x3FAE] =	sst s9;
	s0 =	simm.s32 @!p0 $0x0  }
0x12: {  	s1 =	sld [smem:$0x3F94];
	s0 =	simm.s32 @p0 $0x1  }
0x13: {  	[smem:$0x3FAF] =	sst s0;
	s0 =	simm.s32 @!p1 $0x0  }
0x14: {  	s2 =	sld [smem:$0x3F93];
	s0 =	simm.s32 @p1 $0x1  }
0x15: {  	[smem:$0x3FB0] =	sst s0;
	s0 =	simm.s32 @!p2 $0x0  }
0x16: {  	s3 =	sld [smem:$0x3FDB];
	s0 =	simm.s32 @p2 $0x1  }
0x17: {  	s4 =	simm.s32 $0x1BF5;
	[smem:$0x3FB2] =	sst s0  }
0x18: {  	s0 =	sld [smem:$0x3F95];
	_ =	swait.ge [sflag:s4], $0x0  }
0x19: {  	s7 =	sld [smem:$0x3F96]  }
0x1a: {  	s8 =	sadd.s32 $0xFFFFE003, lr  }
0x1b: {  	s9 =	sadd.s32 $0xFFFFFEF7, lr;
	s5 =	simm.s32 $0xFFFFFFFF;
	p2 =	slt.u32 s8, $0xFFFFF086  }
0x1c: {  	p1 =	slt.u32 s9, $0xF7A;
	s5 =	simm.s32 @!p2 $0x0  }
0x1d: {  	s5 =	simm.s32 @p1 $0x1;
	p0 =	seq.s32 s7, s2  }
0x1e: {  	s7 =	smul.u32 @!p0 $0xF7A, s2;
	p2 =	seq.s32 @!p0 s5, $0x0  }
0x1f: {  	s9 =	smul.u32 $0xF7A, s1;
	s8 =	simm.s32 @!p0 $0x1BF5;
	p2 =	por !p2, p0  }
0x20: {  	[sflag:s8] =	ssyncset.s32 @!p0 $0xFFFFF086;
	s6 =	sadd.s32 @!p0 s3, s7;
	s7 =	simm.s32 @!p0 $0x108  }
0x21: {  	s3 =	sadd.s32 s3, s9;
	s6 =	sadd.s32 @!p0 $0x88, s6;
	s7 =	simm.s32 @p2 $0x1082  }
0x22: {  	[simem:s7], [sflag:s8] =	dma.local @!p0 [hbm:s6], $0xF7A  }
0x23: {  	s9 =	sor.u32 $0xD0000000, s2;
	s6 =	simm.s32 $0x108;
	_ =	swait.ge @!p0 [sflag:s8], $0x0  }
0x24: {  	s3 =	sadd.s32 $0x88, s3;
	s6 =	simm.s32 @!p1 $0x1082;
	[sflag:s4] =	ssyncset.s32 $0xFFFFF086  }
0x25: {  	[simem:s6], [sflag:s4] =	dma.local [hbm:s3], $0xF7A  }
0x26: {  	[smem:$0x3F96] =	sst s1;
	(tag) =	ssettag s2;
	_ =	strace s9  }
0x27: {  	s1 =	sld [smem:$0x3FA6]  }
0x28: {  	s2 =	sld [smem:$0x3FA7]  }
0x29: {  	s4 =	sld [smem:$0x3FA9]  }
0x2a: {  	p0 =	seq.s32 s5, $0x0;
	s5 =	sld [smem:$0x3FAA]  }
0x2b: {  	s6 =	sld [smem:$0x3FAB]  }
0x2c: {  	s7 =	sld [smem:$0x3FAC]  }
0x2d: {  	s3 =	simm.s32 $0x108;
	s8 =	sld [smem:$0x3FAD]  }
0x2e: {  	s3 =	simm.s32 @!p0 $0x1082;
	s9 =	sld [smem:$0x3FAE]  }
0x2f: {  	lr =	sadd.s32 s0, s3;
	s0 =	sld [smem:$0x3FA5]  }
0x30: {  	s3 =	sld [smem:$0x3FA8]  }
0x31: {  	[smem:$0x3FB1] =	sst s10  }
0x32: {  	s10 =	sld [smem:$0x3FAF];
	_ =	sdelay $0x3  }
0x33: {  	p0 =	seq.s32 s10, $0x1;
	s10 =	sld [smem:$0x3FB1];
	_ =	sdelay $0x3  }
0x34: {  	[smem:$0x3FB1] =	sst s10  }
0x35: {  	s10 =	sld [smem:$0x3FB0];
	_ =	sdelay $0x3  }
0x36: {  	p1 =	seq.s32 s10, $0x1;
	s10 =	sld [smem:$0x3FB1];
	_ =	sdelay $0x3  }
0x37: {  	[smem:$0x3FB1] =	sst s10  }
0x38: {  	s10 =	sld [smem:$0x3FB2]  }
0x39: {  	_ = 	snop;
	(pc) =	sbr.ind lr, $3  }
0x3a: {  	_ = 	snop  }
0x3b: {  	_ = 	snop  }
0x3c: {  	p2 =	seq.s32 s10, $0x1;
	s10 =	sld [smem:$0x3FB1]  }
0x3d: {  	_ =	shalt  }
0x3e: {  	_ =	shalt  }
0x3f: {  	_ =	shalt  }
0x40: {  	_ =	shalt  }
0x41: {  	_ =	shalt  }
0x42: {  	_ =	shalt  }
0x43: {  	_ =	shalt  }
0x44: {  	_ =	shalt  }
0x45: {  	_ =	shalt  }
0x46: {  	_ =	shalt  }
0x47: {  	_ =	shalt  }
0x48: {  	_ =	shalt  }
0x49: {  	_ =	shalt  }
0x4a: {  	_ =	shalt  }
0x4b: {  	_ =	shalt  }
0x4c: {  	_ =	shalt  }
0x4d: {  	_ =	shalt  }
0x4e: {  	_ =	shalt  }
0x4f: {  	_ =	shalt  }
0x50: {  	_ =	shalt  }
0x51: {  	_ =	shalt  }
0x52: {  	_ =	shalt  }
0x53: {  	_ =	shalt  }
0x54: {  	_ =	shalt  }
0x55: {  	_ =	shalt  }
0x56: {  	_ =	shalt  }
0x57: {  	_ =	shalt  }
0x58: {  	_ =	shalt  }
0x59: {  	_ =	shalt  }
0x5a: {  	_ =	shalt  }
0x5b: {  	_ =	shalt  }
0x5c: {  	_ =	shalt  }
0x5d: {  	_ =	shalt  }
0x5e: {  	_ =	shalt  }
0x5f: {  	_ =	shalt  }
0x60: {  	_ =	shalt  }
0x61: {  	_ =	shalt  }
0x62: {  	_ =	shalt  }
0x63: {  	_ =	shalt  }
0x64: {  	_ =	shalt  }
0x65: {  	_ =	shalt  }
0x66: {  	_ =	shalt  }
0x67: {  	_ =	shalt  }
0x68: {  	_ =	shalt  }
0x69: {  	_ =	shalt  }
0x6a: {  	_ =	shalt  }
0x6b: {  	_ =	shalt  }
0x6c: {  	_ =	shalt  }
0x6d: {  	_ =	shalt  }
0x6e: {  	_ =	shalt  }
0x6f: {  	_ =	shalt  }
0x70: {  	_ =	shalt  }
0x71: {  	_ =	shalt  }
0x72: {  	_ =	shalt  }
0x73: {  	_ =	shalt  }
0x74: {  	_ =	shalt  }
0x75: {  	_ =	shalt  }
0x76: {  	_ =	shalt  }
0x77: {  	_ =	shalt  }
0x78: {  	_ =	shalt  }
0x79: {  	_ =	shalt  }
0x7a: {  	_ =	shalt  }
0x7b: {  	_ =	shalt  }
0x7c: {  	_ =	shalt  }
0x7d: {  	_ =	shalt  }
0x7e: {  	_ =	shalt  }
0x7f: {  	_ =	shalt  }
0x80: {  	_ =	shalt  }
0x81: {  	_ =	shalt  }
0x82: {  	_ =	shalt  }
0x83: {  	_ =	shalt  }
0x84: {  	_ =	shalt  }
0x85: {  	_ =	shalt  }
0x86: {  	_ =	shalt  }
0x87: {  	_ =	shalt  }
.Lfunc_end0:
.L_simem_size_0:
called_computation.1_lowered:
.L_overlay_start_0:
0x88: {  	s2 =	sld [smem:$0x3FD9]  }
0x89: {  	s3 =	sld [smem:$0x3FFE];
	_ =	sdelay $0x1  }
0x8a: {  	s1 =	srdreg.scid  }
0x8b: {  	s0 =	sand.u32 $0x1, s1  }
0x8c: {  	s16 =	sshll.u32 s0, $0xA;
	s2 =	sadd.s32 s3, s2  }
0x8d: {  	s2 =	sadd.s32 s2, s16  }
0x8e: {  	[smem:$0x3FBD] =	sst s2  }
0x8f: {  	_ = 	snop  }
0x90: {  	(tm) =	ssettm $0x1  }
0x91: {  	s17 =	sld [smem:$0x3FFB];
	_ =	sdelay $0x3  }
0x92: {  	_ =	strace s17  }
0x93: {  	s2 =	sld [smem:$0x3FFC];
	_ =	sdelay $0x3  }
0x94: {  	_ =	strace s2  }
0x95: {  	s2 =	sld [smem:$0x3FFD];
	_ =	sdelay $0x3  }
0x96: {  	_ =	strace s2  }
0x97: {  	_ =	strace $0x8FFFFFFF  }
0x98: {  	s18 =	sld [smem:$0x3FDB];
	_ =	sdelay $0x1  }
0x99: {  	s19 =	simm.s32 $_scs_section_size  }
0x9a: {  	s4 =	simm.s32 $_size__tile_overlayer_lowered;
	s5 =	simm.s32 $_tile_overlayer_lowered  }
0x9b: {  	s22 =	simm.s32 $0x1BFF;
	s21 =	sshll.u32 s5, $0x1;
	s2 =	sadd.s32 s19, s18  }
0x9c: {  	s6 =	simm.s32 $0x0;
	s20 =	sshll.u32 s4, $0x1;
	s4 =	sadd.s32 s21, s2  }
0x9d: {  	[timem:s6], [sflag:s22] =	dma.local [hbm:s4], s20  }
0x9e: {  	_ =	swait.ge [sflag:s22], s20  }
0x9f: {  	s3 =	ssub.s32 $0x0, s20;
	[sflag:s22] =	ssyncset.done $0x0  }
0xa0: {  	[sflag:s22] =	ssyncadd.s32 s3;
	_ =	sdelay $0x1  }
0xa1: {  	s23 =	simm.s32 $0x1B8B  }
0xa2: {  	_ =	swait.ge [sflag:s23], $0x1  }
0xa3: {  	[sflag:s23] =	ssyncset.done $0x0  }
0xa4: {  	s25 =	simm.s32 $0x1B8E;
	s24 =	sld [smem:$0x3FFE];
	[sflag:s23] =	ssyncadd.s32 $0xFFFFFFFF  }
0xa5: {  	s26 =	simm.s32 $execute0_lowered;
	[smem:$0x3FD2] =	sst s25  }
0xa6: {  	s4 =	sshll.u32 s26, $0x1;
	_ =	strace $0x80000049;
	[dreg:$0x1] =	wrdreg $0xFFFFFFFF  }
0xa7: {  	s28 =	simm.s32 $_size_execute0_lowered;
	s2 =	sadd.s32 s2, s4;
	[dreg:$0x0] =	wrdreg $0x0  }
0xa8: {  	s4 =	sshll.u32 s28, $0x1;
	[dreg:$0x2] =	wrdreg s2  }
0xa9: {  	[dreg:$0x3] =	wrdreg s4  }
0xaa: {  	[dreg:$0x4] =	wrdreg $0xC0  }
0xab: {  	_ =	task [dreg:s6], $0x5FFFF  }
0xac: {  	[dreg:$0x1] =	wrdreg $0xFFFFFFFF  }
0xad: {  	[dreg:$0x0] =	wrdreg $0x60  }
0xae: {  	[dreg:$0x2] =	wrdreg s24  }
0xaf: {  	[dreg:$0x3] =	wrdreg $0x78800  }
0xb0: {  	[dreg:$0x4] =	wrdreg $0x9  }
0xb1: {  	_ =	task.clear_ibuf [dreg:s6], $0x5FFFF;
	_ =	strace $0x90000049  }
0xb2: {  	s29 =	simm.s32 $0x9;
	_ =	strace $0x8000004B  }
0xb3: {  	_ =	swait.ge [sflag:s29], $0x1  }
0xb4: {  	[sflag:s29] =	ssyncadd.s32 $0xFFFFFFFF  }
0xb5: {  	_ =	strace $0x9000004B  }
0xb6: {  	_ =	sfence  }
0xb7: {  	s30 =	sld [smem:$0x0];
	_ =	sdelay $0x2  }
0xb8: {  	s31 =	sshll.u32 s1, $0xD;
	s1 =	sshrl.u32 s1, $0x2  }
0xb9: {  	s3 =	sand.u32 $0x4000, s31;
	s1 =	sadd.s32 s1, s30  }
0xba: {  	s0 =	sor.u32 s3, s0;
	s1 =	sshll.u32 s1, $0x11  }
0xbb: {  	s0 =	sor.u32 s1, s0  }
0xbc: {  	s0 =	sadd.s32 $0x8F2B, s0  }
0xbd: {  	[sflag:s0] =	ssyncadd.remote.s32 $0x1  }
0xbe: {  	_ =	sfence.sel $0xFFFF  }
0xbf: {  	[dreg:$0x0] =	wrdreg $0xFFFFFFFF;
	(pc) =	sbr.abs _section_cstart, $3  }
0xc0: {  	[dreg:$0x1] =	wrdreg $0xFFFFFFFF  }
0xc1: {  	_ =	task.clear_ibuf [dreg:s6], $0x2FFFF;
	_ =	strace $0x9FFFFFFF  }
0xc2: {  	(tm) =	ssettm $0x7FFFFFFF  }
0xc3: {  	_ =	shalt  }
tec
execute0_lowered:
.L_overlay_start_1:
0x0: {  	(tag) =	ssettag $0x1  }
0x1: {  	s0 =	srdreg.scid;
	s8 =	stileid.u32  }
0x2: {  	s5 =	rddreg [dreg:$0x0];
	s6 =	smul.u32 $0x5000, s8  }
0x3: {  	s2 =	rddreg [dreg:$0x1];
	s3 =	simm.s32 $0x0;
	s21 =	smul.u32 $0x4F000, s8  }
0x4: {  	s0 =	sand.u32 $0x1, s0;
	s1 =	sshll.u32 s8, $0x1;
	s8 =	smul.u32 $0x13C00, s8  }
0x5: {  	[smem:$0x7FF] =	sst s3;
	s4 =	sadd.s32 $0x16200, s5;
	s7 =	smul.u32 $0x2800, s0  }
0x6: {  	s9 =	sadd.s32 $0x3D400, s5;
	s1 =	sor.u32 s0, s1;
	s10 =	smul.u32 $0x13C000, s0  }
0x7: {  	_ =	strace $0x8000004A;
	s0 =	ssub.s32 $0x2, s0;
	s1 =	smul.u32 $0x2800, s1  }
0x8: {  	s22 =	sshrl.u32 s21, $0x2;
	s23 =	sadd.s32 $0x10000, s8;
	s11 =	sshrl.u32 s0, $0x1  }
0x9: {  	s18 =	sadd.s32 $0x4000, s8;
	s19 =	sadd.s32 $0x8000, s8;
	s6 =	sadd.s32 s7, s6  }
0xa: {  	s12 =	sadd.s32 s10, s23;
	s0 =	ssub.s32 s0, s11;
	s26 =	sadd.s32 s23, s2  }
0xb: {  	s15 =	sadd.s32 s10, s8;
	s23 =	sadd.s32 s10, s18;
	s1 =	sshrl.u32 s1, $0x3  }
0xc: {  	s6 =	sshrl.u32 s6, $0x3;
	s25 =	sshrl.u32 s12, $0x3;
	[dreg:$0x5] =	wrdreg s26  }
0xd: {  	s0 =	smax.u32 s0, $0x1;
	s1 =	sadd.s32 s1, s5;
	s6 =	sadd.s32 s6, s5  }
0xe: {  	s5 =	sadd.s32 s22, s2;
	s7 =	sadd.s32 s9, s25;
	[dreg:$0x7] =	wrdreg s0  }
0xf: {  	s8 =	sadd.s32 $0xC000, s8;
	s24 =	sadd.s32 $0x13000, s5;
	[dreg:$0x6] =	wrdreg s7  }
0x10: {  	s0 =	sshrl.u32 s15, $0x3;
	s1 =	sadd.s32 $0x2200, s1;
	[dreg:$0x3] =	wrdreg s24  }
0x11: {  	s22 =	sadd.s32 s18, s2;
	s11 =	sadd.s32 $0x1000, s5;
	[dreg:$0x4] =	wrdreg s1  }
0x12: {  	s15 =	simm.s32 $0x1;
	s12 =	sadd.s32 $0x2000, s5;
	[dreg:$0x8] =	wrdreg s11  }
0x13: {  	s13 =	sadd.s32 $0x3000, s5;
	s14 =	sadd.s32 $0x4000, s5;
	[dreg:$0x9] =	wrdreg s12  }
0x14: {  	s16 =	sadd.s32 $0x5000, s5;
	s17 =	sadd.s32 $0x6000, s5;
	[dreg:$0xa] =	wrdreg s13  }
0x15: {  	s0 =	sadd.s32 s9, s0;
	s7 =	sshrl.u32 s23, $0x3;
	[dreg:$0xb] =	wrdreg s14  }
0x16: {  	s21 =	sadd.s32 $0x7000, s5;
	s23 =	sadd.s32 s19, s2;
	[dreg:$0xc] =	wrdreg s16  }
0x17: {  	s28 =	sadd.s32 $0x9000, s5;
	s29 =	sadd.s32 $0xA000, s5;
	[dreg:$0xd] =	wrdreg s17  }
0x18: {  	s30 =	sadd.s32 $0xB000, s5;
	s31 =	sadd.s32 $0xC000, s5;
	[dreg:$0xe] =	wrdreg s0  }
0x19: {  	s24 =	sadd.s32 s10, s19;
	s10 =	sadd.s32 s10, s8;
	s7 =	sadd.s32 s9, s7  }
0x1a: {  	s1 =	sadd.s32 $0xD000, s5;
	s0 =	sadd.s32 $0xE000, s5;
	s12 =	simm.s32 $0x80  }
0x1b: {  	s13 =	simm.s32 $0x2880;
	s14 =	simm.s32 $0x2800;
	s16 =	simm.s32 $0x0  }
0x1c: {  	s11 =	sshrl.u32 s24, $0x3;
	[dreg:$0xf] =	wrdreg s7;
	s26 =	sshrl.u32 s10, $0x3  }
0x1d: {  	s24 =	sadd.s32 s8, s2;
	s7 =	sadd.s32 $0x10000, s5;
	s8 =	sadd.s32 $0x11000, s5  }
0x1e: {  	s10 =	simm.s32 $0x6880;
	s25 =	sadd.s32 s9, s11;
	s20 =	sadd.s32 s9, s26  }
0x1f: {  	s26 =	sadd.s32 $0x8000, s5;
	s9 =	sadd.s32 $0x12000, s5;
	s11 =	simm.s32 $0x2  }
0x20: {  	v0 =	vimm.f32 $0.0e+00;
	[dreg:$0x10] =	wrdreg s25;
	s25 =	sadd.s32 $0xC200, s6;
	s6 =	sadd.s32 $0xF000, s5  }
.LBB2_1:
0x21: {  	s17 =	simm.s32 $0x0;
	s18 =	simm.s32 $0x200  }
.LBB2_2:
0x22: {  	p0 =	sne.s32 s18, $0x3E00;
	[tilespmem:s17+$0x68F0] =	vst v0  }
0x23: {  	[tilespmem:s17+$0x6880] =	vst v0  }
0x24: {  	[tilespmem:s17+$0x6890] =	vst v0  }
.Ltmp0:
0x25: {  	[tilespmem:s17+$0x68A0] =	vst v0;
	(pc) =	sbr.rel @p0 .LBB2_2-.Ltmp0, $4  }
0x26: {  	[tilespmem:s17+$0x68B0] =	vst v0  }
0x27: {  	[tilespmem:s17+$0x68C0] =	vst v0  }
0x28: {  	[tilespmem:s17+$0x68D0] =	vst v0  }
0x29: {  	[tilespmem:s17+$0x68E0] =	vst v0;
	s17 =	sshra.s32 s18, $0x2;
	s18 =	sadd.s32 $0x200, s18  }
0x2a: {  	[tilespmem:s17+$0x68F0] =	vst v0  }
0x2b: {  	[tilespmem:s17+$0x6880] =	vst v0  }
0x2c: {  	[tilespmem:s17+$0x6890] =	vst v0  }
0x2d: {  	[tilespmem:s17+$0x68A0] =	vst v0  }
0x2e: {  	[tilespmem:s17+$0x68B0] =	vst v0  }
0x2f: {  	[tilespmem:s17+$0x68C0] =	vst v0  }
0x30: {  	[tilespmem:s17+$0x68D0] =	vst v0  }
0x31: {  	[tilespmem:s17+$0x68E0] =	vst v0  }
0x32: {  	[spmem:s5] =	stream.linear.scatter [tilespmem:s10], [sflag:$0x2], $0x1000, $0x38;
	[tilespmem:$0x1B480] =	vst v63  }
0x33: {  	_ =	swait.ge [sflag:s11], $0x1000  }
0x34: {  	[sflag:s11] =	ssyncset.done $0x0  }
0x35: {  	s18 =	rddreg [dreg:$0x8];
	[sflag:s11] =	ssyncadd.s32 $0xFFFFF000  }
0x36: {  	[spmem:s18] =	stream.linear.scatter [tilespmem:s10], [sflag:$0x2], $0x1000, $0x38;
	[tilespmem:$0x1B480] =	vst v63  }
0x37: {  	_ =	swait.ge [sflag:s11], $0x1000  }
0x38: {  	[sflag:s11] =	ssyncset.done $0x0  }
0x39: {  	s19 =	rddreg [dreg:$0x9];
	[sflag:s11] =	ssyncadd.s32 $0xFFFFF000  }
0x3a: {  	[spmem:s19] =	stream.linear.scatter [tilespmem:s10], [sflag:$0x2], $0x1000, $0x38;
	[tilespmem:$0x1B480] =	vst v63  }
0x3b: {  	_ =	swait.ge [sflag:s11], $0x1000  }
0x3c: {  	[sflag:s11] =	ssyncset.done $0x0  }
0x3d: {  	s18 =	rddreg [dreg:$0xa];
	[sflag:s11] =	ssyncadd.s32 $0xFFFFF000  }
0x3e: {  	[spmem:s18] =	stream.linear.scatter [tilespmem:s10], [sflag:$0x2], $0x1000, $0x38;
	[tilespmem:$0x1B480] =	vst v63  }
0x3f: {  	_ =	swait.ge [sflag:s11], $0x1000  }
0x40: {  	[sflag:s11] =	ssyncset.done $0x0  }
0x41: {  	s19 =	rddreg [dreg:$0xb];
	[sflag:s11] =	ssyncadd.s32 $0xFFFFF000  }
0x42: {  	[spmem:s19] =	stream.linear.scatter [tilespmem:s10], [sflag:$0x2], $0x1000, $0x38;
	[tilespmem:$0x1B480] =	vst v63  }
0x43: {  	_ =	swait.ge [sflag:s11], $0x1000  }
0x44: {  	[sflag:s11] =	ssyncset.done $0x0  }
0x45: {  	s18 =	rddreg [dreg:$0xc];
	[sflag:s11] =	ssyncadd.s32 $0xFFFFF000  }
0x46: {  	[spmem:s18] =	stream.linear.scatter [tilespmem:s10], [sflag:$0x2], $0x1000, $0x38;
	[tilespmem:$0x1B480] =	vst v63  }
0x47: {  	_ =	swait.ge [sflag:s11], $0x1000  }
0x48: {  	[sflag:s11] =	ssyncset.done $0x0  }
0x49: {  	s19 =	rddreg [dreg:$0xd];
	[sflag:s11] =	ssyncadd.s32 $0xFFFFF000  }
0x4a: {  	[spmem:s19] =	stream.linear.scatter [tilespmem:s10], [sflag:$0x2], $0x1000, $0x38;
	[tilespmem:$0x1B480] =	vst v63  }
0x4b: {  	_ =	swait.ge [sflag:s11], $0x1000  }
0x4c: {  	[sflag:s11] =	ssyncset.done $0x0  }
0x4d: {  	[sflag:s11] =	ssyncadd.s32 $0xFFFFF000  }
0x4e: {  	[spmem:s21] =	stream.linear.scatter [tilespmem:s10], [sflag:$0x2], $0x1000, $0x38;
	[tilespmem:$0x1B480] =	vst v63  }
0x4f: {  	_ =	swait.ge [sflag:s11], $0x1000  }
0x50: {  	[sflag:s11] =	ssyncset.done $0x0  }
0x51: {  	[sflag:s11] =	ssyncadd.s32 $0xFFFFF000  }
0x52: {  	[spmem:s26] =	stream.linear.scatter [tilespmem:s10], [sflag:$0x2], $0x1000, $0x38;
	[tilespmem:$0x1B480] =	vst v63  }
0x53: {  	_ =	swait.ge [sflag:s11], $0x1000  }
0x54: {  	[sflag:s11] =	ssyncset.done $0x0  }
0x55: {  	[sflag:s11] =	ssyncadd.s32 $0xFFFFF000  }
0x56: {  	[spmem:s28] =	stream.linear.scatter [tilespmem:s10], [sflag:$0x2], $0x1000, $0x38;
	[tilespmem:$0x1B480] =	vst v63  }
0x57: {  	_ =	swait.ge [sflag:s11], $0x1000  }
0x58: {  	[sflag:s11] =	ssyncset.done $0x0  }
0x59: {  	[sflag:s11] =	ssyncadd.s32 $0xFFFFF000  }
0x5a: {  	[spmem:s29] =	stream.linear.scatter [tilespmem:s10], [sflag:$0x2], $0x1000, $0x38;
	[tilespmem:$0x1B480] =	vst v63  }
0x5b: {  	_ =	swait.ge [sflag:s11], $0x1000  }
0x5c: {  	[sflag:s11] =	ssyncset.done $0x0  }
0x5d: {  	[sflag:s11] =	ssyncadd.s32 $0xFFFFF000  }
0x5e: {  	[spmem:s30] =	stream.linear.scatter [tilespmem:s10], [sflag:$0x2], $0x1000, $0x38;
	[tilespmem:$0x1B480] =	vst v63  }
0x5f: {  	_ =	swait.ge [sflag:s11], $0x1000  }
0x60: {  	[sflag:s11] =	ssyncset.done $0x0  }
0x61: {  	[sflag:s11] =	ssyncadd.s32 $0xFFFFF000  }
0x62: {  	[spmem:s31] =	stream.linear.scatter [tilespmem:s10], [sflag:$0x2], $0x1000, $0x38;
	[tilespmem:$0x1B480] =	vst v63  }
0x63: {  	_ =	swait.ge [sflag:s11], $0x1000  }
0x64: {  	[sflag:s11] =	ssyncset.done $0x0  }
0x65: {  	[sflag:s11] =	ssyncadd.s32 $0xFFFFF000  }
0x66: {  	[spmem:s1] =	stream.linear.scatter [tilespmem:s10], [sflag:$0x2], $0x1000, $0x38;
	[tilespmem:$0x1B480] =	vst v63  }
0x67: {  	_ =	swait.ge [sflag:s11], $0x1000  }
0x68: {  	[sflag:s11] =	ssyncset.done $0x0  }
0x69: {  	[sflag:s11] =	ssyncadd.s32 $0xFFFFF000  }
0x6a: {  	[spmem:s0] =	stream.linear.scatter [tilespmem:s10], [sflag:$0x2], $0x1000, $0x38;
	[tilespmem:$0x1B480] =	vst v63  }
0x6b: {  	_ =	swait.ge [sflag:s11], $0x1000  }
0x6c: {  	[sflag:s11] =	ssyncset.done $0x0  }
0x6d: {  	[sflag:s11] =	ssyncadd.s32 $0xFFFFF000  }
0x6e: {  	[spmem:s6] =	stream.linear.scatter [tilespmem:s10], [sflag:$0x2], $0x1000, $0x38;
	[tilespmem:$0x1B480] =	vst v63  }
0x6f: {  	_ =	swait.ge [sflag:s11], $0x1000  }
0x70: {  	[sflag:s11] =	ssyncset.done $0x0  }
0x71: {  	[sflag:s11] =	ssyncadd.s32 $0xFFFFF000  }
0x72: {  	[spmem:s7] =	stream.linear.scatter [tilespmem:s10], [sflag:$0x2], $0x1000, $0x38;
	[tilespmem:$0x1B480] =	vst v63  }
0x73: {  	_ =	swait.ge [sflag:s11], $0x1000  }
0x74: {  	[sflag:s11] =	ssyncset.done $0x0  }
0x75: {  	[sflag:s11] =	ssyncadd.s32 $0xFFFFF000  }
0x76: {  	[spmem:s8] =	stream.linear.scatter [tilespmem:s10], [sflag:$0x2], $0x1000, $0x38;
	[tilespmem:$0x1B480] =	vst v63  }
0x77: {  	_ =	swait.ge [sflag:s11], $0x1000  }
0x78: {  	[sflag:s11] =	ssyncset.done $0x0  }
0x79: {  	[sflag:s11] =	ssyncadd.s32 $0xFFFFF000  }
0x7a: {  	[spmem:s9] =	stream.linear.scatter [tilespmem:s10], [sflag:$0x2], $0x1000, $0x38;
	[tilespmem:$0x1B480] =	vst v63  }
0x7b: {  	_ =	swait.ge [sflag:s11], $0x1000  }
0x7c: {  	[sflag:s11] =	ssyncset.done $0x0  }
0x7d: {  	s18 =	rddreg [dreg:$0x3];
	[sflag:s11] =	ssyncadd.s32 $0xFFFFF000  }
0x7e: {  	[spmem:s18] =	stream.linear.scatter [tilespmem:s10], [sflag:$0x2], $0xC00, $0x38;
	[tilespmem:$0x1B480] =	vst v63  }
0x7f: {  	_ =	swait.ge [sflag:s11], $0xC00  }
0x80: {  	[sflag:s11] =	ssyncset.done $0x0  }
0x81: {  	s17 =	simm.s32 $0x0;
	s18 =	rddreg [dreg:$0x4];
	[sflag:s11] =	ssyncadd.s32 $0xFFFFF400  }
0x82: {  	[tilespmem:s17], [sflag:$0x2] =	stream.linear.gather [hbm4b:s18+s17], $0x2800, $0x38;
	[tilespmem:$0x1B480] =	vst v63  }
0x83: {  	_ =	swait.ge [sflag:s11], $0x2800  }
0x84: {  	[sflag:s11] =	ssyncset.done $0x0  }
0x85: {  	[sflag:s11] =	ssyncadd.s32 $0xFFFFD800  }
0x86: {  	[bflag:$0x0] =	sbarrier.arrive $0xFFFF  }
0x87: {  	[tilespmem:s13], [sflag:$0x1] =	stream.indirect.gather [hbm4b:s4+s12], $0x80, s17, s12, $0xb8;
	[tilespmem:$0x1B480] =	vst v63  }
0x88: {  	s19 =	sadd.s32 $0x0, s25  }
0x89: {  	[tilespmem:s14], [sflag:$0x2] =	stream.linear.gather [hbm4b:s19+s3], $0x80, $0x38;
	[tilespmem:$0x1B480] =	vst v63  }
0x8a: {  	_ =	swait.ge [sflag:s11], $0x80  }
0x8b: {  	[sflag:s11] =	ssyncset.done $0x0  }
0x8c: {  	[sflag:s11] =	ssyncadd.s32 $0xFFFFFF80  }
0x8d: {  	_ =	swait.ge [sflag:s15], $0x4000  }
0x8e: {  	[sflag:s15] =	ssyncset.done $0x0  }
0x8f: {  	[sflag:s15] =	ssyncadd.s32 $0xFFFFC000  }
0x90: {  	[spmem:s2] =	stream.indirect.scatter.add.f32 [tilespmem:s13], [sflag:$0x2], $0x80, s14, s12, $0xb8;
	[tilespmem:$0x1B480] =	vst v63  }
0x91: {  	_ =	swait.ge [sflag:s11], $0x4000  }
0x92: {  	s18 =	simm.s32 $0x10;
	[sflag:s11] =	ssyncset.done $0x0  }
.LBB2_4:
0x93: {  	p0 =	sne.s32 s18, $0x4F0;
	[sflag:s11] =	ssyncadd.s32 $0xFFFFC000;
	s17 =	sadd.s32 $0x80, s17  }
0x94: {  	[tilespmem:s13], [sflag:$0x1] =	stream.indirect.gather [hbm4b:s4+s12], $0x80, s17, s12, $0xb8;
	[tilespmem:$0x1B480] =	vst v63  }
0x95: {  	s19 =	sadd.s32 s18, s25;
	s18 =	sadd.s32 $0x10, s18  }
0x96: {  	[tilespmem:s14], [sflag:$0x2] =	stream.linear.gather [hbm4b:s19+s3], $0x80, $0x38;
	[tilespmem:$0x1B480] =	vst v63  }
0x97: {  	_ =	swait.ge [sflag:s11], $0x80  }
0x98: {  	[sflag:s11] =	ssyncset.done $0x0  }
0x99: {  	[sflag:s11] =	ssyncadd.s32 $0xFFFFFF80  }
0x9a: {  	_ =	swait.ge [sflag:s15], $0x4000  }
.Ltmp1:
0x9b: {  	[sflag:s15] =	ssyncset.done $0x0;
	(pc) =	sbr.rel @p0 .LBB2_4-.Ltmp1, $4  }
0x9c: {  	[sflag:s15] =	ssyncadd.s32 $0xFFFFC000  }
0x9d: {  	[spmem:s2] =	stream.indirect.scatter.add.f32 [tilespmem:s13], [sflag:$0x2], $0x80, s14, s12, $0xb8;
	[tilespmem:$0x1B480] =	vst v63  }
0x9e: {  	_ =	swait.ge [sflag:s11], $0x4000  }
0x9f: {  	[sflag:s11] =	ssyncset.done $0x0  }
0xa0: {  	[sflag:s11] =	ssyncadd.s32 $0xFFFFC000  }
0xa1: {  	[bflag:$0x0] =	sbarrier.arrive $0xFFFF  }
0xa2: {  	[tilespmem:s13], [sflag:$0x2] =	stream.linear.gather [spmem:s5], $0x4000, $0x38;
	[tilespmem:$0x1B480] =	vst v63  }
0xa3: {  	_ =	swait.ge [sflag:s11], $0x4000  }
0xa4: {  	[sflag:s11] =	ssyncset.done $0x0  }
0xa5: {  	s17 =	rddreg [dreg:$0xe];
	[sflag:s11] =	ssyncadd.s32 $0xFFFFC000  }
0xa6: {  	[hbm4b:s17+s3] =	stream.linear.scatter [tilespmem:s13], [sflag:$0x2], $0x4000, $0x38;
	[tilespmem:$0x1B480] =	vst v63  }
0xa7: {  	_ =	swait.ge [sflag:s11], $0x4000  }
0xa8: {  	[sflag:s11] =	ssyncset.done $0x0  }
0xa9: {  	[sflag:s11] =	ssyncadd.s32 $0xFFFFC000  }
0xaa: {  	[tilespmem:s13], [sflag:$0x2] =	stream.linear.gather [spmem:s22], $0x4000, $0x38;
	[tilespmem:$0x1B480] =	vst v63  }
0xab: {  	_ =	swait.ge [sflag:s11], $0x4000  }
0xac: {  	[sflag:s11] =	ssyncset.done $0x0  }
0xad: {  	s19 =	rddreg [dreg:$0xf];
	[sflag:s11] =	ssyncadd.s32 $0xFFFFC000  }
0xae: {  	[hbm4b:s19+s3] =	stream.linear.scatter [tilespmem:s13], [sflag:$0x2], $0x4000, $0x38;
	[tilespmem:$0x1B480] =	vst v63  }
0xaf: {  	_ =	swait.ge [sflag:s11], $0x4000  }
0xb0: {  	[sflag:s11] =	ssyncset.done $0x0  }
0xb1: {  	[sflag:s11] =	ssyncadd.s32 $0xFFFFC000  }
0xb2: {  	[tilespmem:s13], [sflag:$0x2] =	stream.linear.gather [spmem:s23], $0x4000, $0x38;
	[tilespmem:$0x1B480] =	vst v63  }
0xb3: {  	_ =	swait.ge [sflag:s11], $0x4000  }
0xb4: {  	[sflag:s11] =	ssyncset.done $0x0  }
0xb5: {  	s18 =	rddreg [dreg:$0x10];
	[sflag:s11] =	ssyncadd.s32 $0xFFFFC000  }
0xb6: {  	[hbm4b:s18+s3] =	stream.linear.scatter [tilespmem:s13], [sflag:$0x2], $0x4000, $0x38;
	[tilespmem:$0x1B480] =	vst v63  }
0xb7: {  	_ =	swait.ge [sflag:s11], $0x4000  }
0xb8: {  	[sflag:s11] =	ssyncset.done $0x0  }
0xb9: {  	[sflag:s11] =	ssyncadd.s32 $0xFFFFC000  }
0xba: {  	[tilespmem:s13], [sflag:$0x2] =	stream.linear.gather [spmem:s24], $0x4000, $0x38;
	[tilespmem:$0x1B480] =	vst v63  }
0xbb: {  	_ =	swait.ge [sflag:s11], $0x4000  }
0xbc: {  	[sflag:s11] =	ssyncset.done $0x0  }
0xbd: {  	[sflag:s11] =	ssyncadd.s32 $0xFFFFC000  }
0xbe: {  	[hbm4b:s20+s3] =	stream.linear.scatter [tilespmem:s13], [sflag:$0x2], $0x4000, $0x38;
	[tilespmem:$0x1B480] =	vst v63  }
0xbf: {  	_ =	swait.ge [sflag:s11], $0x4000  }
0xc0: {  	[sflag:s11] =	ssyncset.done $0x0  }
0xc1: {  	s19 =	rddreg [dreg:$0x5];
	[sflag:s11] =	ssyncadd.s32 $0xFFFFC000  }
0xc2: {  	[tilespmem:s13], [sflag:$0x2] =	stream.linear.gather [spmem:s19], $0x3C00, $0x38;
	[tilespmem:$0x1B480] =	vst v63  }
0xc3: {  	_ =	swait.ge [sflag:s11], $0x3C00  }
0xc4: {  	[sflag:s11] =	ssyncset.done $0x0  }
0xc5: {  	s18 =	rddreg [dreg:$0x6];
	[sflag:s11] =	ssyncadd.s32 $0xFFFFC400  }
0xc6: {  	[hbm4b:s18+s3] =	stream.linear.scatter [tilespmem:s13], [sflag:$0x2], $0x3C00, $0x38;
	[tilespmem:$0x1B480] =	vst v63  }
0xc7: {  	_ =	swait.ge [sflag:s11], $0x3C00  }
0xc8: {  	s16 =	sadd.s32 $0x1, s16;
	s19 =	rddreg [dreg:$0x7]  }
0xc9: {  	p0 =	sne.s32 s16, s19  }
.Ltmp2:
0xca: {  	_ = 	snop;
	(pc) =	sbr.rel @p0 .LBB2_1-.Ltmp2, $3  }
0xcb: {  	_ =	sdelay $0x1  }
0xcc: {  	[sflag:s11] =	ssyncset.done $0x0  }
0xcd: {  	[sflag:s11] =	ssyncadd.s32 $0xFFFFC400  }
0xce: {  	_ =	sfence.sel $0x180000  }
0xcf: {  	[bflag:$0x0] =	sbarrier.arrive $0xFFFF  }
0xd0: {  	_ =	strace $0x9000004A  }
0xd1: {  	s0 =	stileid.u32;
	[bflag:$0x2] =	sbarrier.arrive $0xFFFF  }
0xd2: {  	p0 =	sne.s32 s0, $0x0;
	s0 =	rddreg [dreg:$0x2]  }
0xd3: {  	s0 =	sadd.s32 @!p0 $0x100000, s0  }
0xd4: {  	[sflag:s0] =	ssyncadd.tile.s32 @!p0 $0x1;
	_ =	shalt  }
.Lfunc_end2:
_tile_overlayer_lowered:
.L_overlay_start_2:
0xd5: {  	(tag) =	ssettag $0x2  }
0xd6: {  	s0 =	rddreg [dreg:$0x0];
	s2 =	stileid.u32  }
0xd7: {  	s1 =	rddreg [dreg:$0x1];
	p0 =	sne.s32 s2, $0x0  }
0xd8: {  	s3 =	rddreg [dreg:$0x2];
	[bflag:$0x3] =	sbarrier.arrive $0xFFFF;
	s2 =	simm.s32 @!p0 $0x1C02  }
0xd9: {  	[timem:s3], [sflag:s2] =	dma.local @!p0 [hbm:s0], s1  }
0xda: {  	s0 =	simm.s32 @!p0 $0x2  }
0xdb: {  	_ =	swait.ge @!p0 [sflag:s0], s1  }
0xdc: {  	s1 =	ssub.s32 @!p0 $0x0, s1;
	[sflag:s0] =	ssyncset.done @!p0 $0x0  }
0xdd: {  	[sflag:s0] =	ssyncadd.s32 @!p0 s1  }
0xde: {  	[bflag:$0x3] =	sbarrier.arrive $0xFFFF  }
0xdf: {  	_ =	shalt  }

// kernel: sage_edge_agg_cnt.3.cloned.1.call-start
scs
__scs_entry_jumppad:
0x0: {  	(pc) =	sbr.rel $0x88, $3  }
0x1: {  	(tag) =	ssettag $0x0;
	lr =	simm.s32 $0x1  }
0x2: {  	[smem:$0x3F96] =	sst lr;
	_ =	strace $0xD0000000  }
0x3: {  	_ = 	snop  }
0x4: {  	_ = 	snop  }
0x5: {  	_ = 	snop  }
0x6: {  	_ = 	snop  }
0x7: {  	_ = 	snop  }
__scs_overlays_trampoline_lowered:
0x8: {  	[smem:$0x3FA5] =	sst s0  }
0x9: {  	[smem:$0x3FA6] =	sst s1  }
0xa: {  	[smem:$0x3FA7] =	sst s2  }
0xb: {  	[smem:$0x3FA8] =	sst s3  }
0xc: {  	[smem:$0x3FA9] =	sst s4  }
0xd: {  	[smem:$0x3FAA] =	sst s5  }
0xe: {  	[smem:$0x3FAB] =	sst s6  }
0xf: {  	[smem:$0x3FAC] =	sst s7  }
0x10: {  	[smem:$0x3FAD] =	sst s8  }
0x11: {  	[smem:$0x3FAE] =	sst s9;
	s0 =	simm.s32 @!p0 $0x0  }
0x12: {  	s1 =	sld [smem:$0x3F94];
	s0 =	simm.s32 @p0 $0x1  }
0x13: {  	[smem:$0x3FAF] =	sst s0;
	s0 =	simm.s32 @!p1 $0x0  }
0x14: {  	s2 =	sld [smem:$0x3F93];
	s0 =	simm.s32 @p1 $0x1  }
0x15: {  	[smem:$0x3FB0] =	sst s0;
	s0 =	simm.s32 @!p2 $0x0  }
0x16: {  	s3 =	sld [smem:$0x3FDB];
	s0 =	simm.s32 @p2 $0x1  }
0x17: {  	s4 =	simm.s32 $0x1BF5;
	[smem:$0x3FB2] =	sst s0  }
0x18: {  	s0 =	sld [smem:$0x3F95];
	_ =	swait.ge [sflag:s4], $0x0  }
0x19: {  	s7 =	sld [smem:$0x3F96]  }
0x1a: {  	s8 =	sadd.s32 $0xFFFFE003, lr  }
0x1b: {  	s9 =	sadd.s32 $0xFFFFFEF7, lr;
	s5 =	simm.s32 $0xFFFFFFFF;
	p2 =	slt.u32 s8, $0xFFFFF086  }
0x1c: {  	p1 =	slt.u32 s9, $0xF7A;
	s5 =	simm.s32 @!p2 $0x0  }
0x1d: {  	s5 =	simm.s32 @p1 $0x1;
	p0 =	seq.s32 s7, s2  }
0x1e: {  	s7 =	smul.u32 @!p0 $0xF7A, s2;
	p2 =	seq.s32 @!p0 s5, $0x0  }
0x1f: {  	s9 =	smul.u32 $0xF7A, s1;
	s8 =	simm.s32 @!p0 $0x1BF5;
	p2 =	por !p2, p0  }
0x20: {  	[sflag:s8] =	ssyncset.s32 @!p0 $0xFFFFF086;
	s6 =	sadd.s32 @!p0 s3, s7;
	s7 =	simm.s32 @!p0 $0x108  }
0x21: {  	s3 =	sadd.s32 s3, s9;
	s6 =	sadd.s32 @!p0 $0x88, s6;
	s7 =	simm.s32 @p2 $0x1082  }
0x22: {  	[simem:s7], [sflag:s8] =	dma.local @!p0 [hbm:s6], $0xF7A  }
0x23: {  	s9 =	sor.u32 $0xD0000000, s2;
	s6 =	simm.s32 $0x108;
	_ =	swait.ge @!p0 [sflag:s8], $0x0  }
0x24: {  	s3 =	sadd.s32 $0x88, s3;
	s6 =	simm.s32 @!p1 $0x1082;
	[sflag:s4] =	ssyncset.s32 $0xFFFFF086  }
0x25: {  	[simem:s6], [sflag:s4] =	dma.local [hbm:s3], $0xF7A  }
0x26: {  	[smem:$0x3F96] =	sst s1;
	(tag) =	ssettag s2;
	_ =	strace s9  }
0x27: {  	s1 =	sld [smem:$0x3FA6]  }
0x28: {  	s2 =	sld [smem:$0x3FA7]  }
0x29: {  	s4 =	sld [smem:$0x3FA9]  }
0x2a: {  	p0 =	seq.s32 s5, $0x0;
	s5 =	sld [smem:$0x3FAA]  }
0x2b: {  	s6 =	sld [smem:$0x3FAB]  }
0x2c: {  	s7 =	sld [smem:$0x3FAC]  }
0x2d: {  	s3 =	simm.s32 $0x108;
	s8 =	sld [smem:$0x3FAD]  }
0x2e: {  	s3 =	simm.s32 @!p0 $0x1082;
	s9 =	sld [smem:$0x3FAE]  }
0x2f: {  	lr =	sadd.s32 s0, s3;
	s0 =	sld [smem:$0x3FA5]  }
0x30: {  	s3 =	sld [smem:$0x3FA8]  }
0x31: {  	[smem:$0x3FB1] =	sst s10  }
0x32: {  	s10 =	sld [smem:$0x3FAF];
	_ =	sdelay $0x3  }
0x33: {  	p0 =	seq.s32 s10, $0x1;
	s10 =	sld [smem:$0x3FB1];
	_ =	sdelay $0x3  }
0x34: {  	[smem:$0x3FB1] =	sst s10  }
0x35: {  	s10 =	sld [smem:$0x3FB0];
	_ =	sdelay $0x3  }
0x36: {  	p1 =	seq.s32 s10, $0x1;
	s10 =	sld [smem:$0x3FB1];
	_ =	sdelay $0x3  }
0x37: {  	[smem:$0x3FB1] =	sst s10  }
0x38: {  	s10 =	sld [smem:$0x3FB2]  }
0x39: {  	_ = 	snop;
	(pc) =	sbr.ind lr, $3  }
0x3a: {  	_ = 	snop  }
0x3b: {  	_ = 	snop  }
0x3c: {  	p2 =	seq.s32 s10, $0x1;
	s10 =	sld [smem:$0x3FB1]  }
0x3d: {  	_ =	shalt  }
0x3e: {  	_ =	shalt  }
0x3f: {  	_ =	shalt  }
0x40: {  	_ =	shalt  }
0x41: {  	_ =	shalt  }
0x42: {  	_ =	shalt  }
0x43: {  	_ =	shalt  }
0x44: {  	_ =	shalt  }
0x45: {  	_ =	shalt  }
0x46: {  	_ =	shalt  }
0x47: {  	_ =	shalt  }
0x48: {  	_ =	shalt  }
0x49: {  	_ =	shalt  }
0x4a: {  	_ =	shalt  }
0x4b: {  	_ =	shalt  }
0x4c: {  	_ =	shalt  }
0x4d: {  	_ =	shalt  }
0x4e: {  	_ =	shalt  }
0x4f: {  	_ =	shalt  }
0x50: {  	_ =	shalt  }
0x51: {  	_ =	shalt  }
0x52: {  	_ =	shalt  }
0x53: {  	_ =	shalt  }
0x54: {  	_ =	shalt  }
0x55: {  	_ =	shalt  }
0x56: {  	_ =	shalt  }
0x57: {  	_ =	shalt  }
0x58: {  	_ =	shalt  }
0x59: {  	_ =	shalt  }
0x5a: {  	_ =	shalt  }
0x5b: {  	_ =	shalt  }
0x5c: {  	_ =	shalt  }
0x5d: {  	_ =	shalt  }
0x5e: {  	_ =	shalt  }
0x5f: {  	_ =	shalt  }
0x60: {  	_ =	shalt  }
0x61: {  	_ =	shalt  }
0x62: {  	_ =	shalt  }
0x63: {  	_ =	shalt  }
0x64: {  	_ =	shalt  }
0x65: {  	_ =	shalt  }
0x66: {  	_ =	shalt  }
0x67: {  	_ =	shalt  }
0x68: {  	_ =	shalt  }
0x69: {  	_ =	shalt  }
0x6a: {  	_ =	shalt  }
0x6b: {  	_ =	shalt  }
0x6c: {  	_ =	shalt  }
0x6d: {  	_ =	shalt  }
0x6e: {  	_ =	shalt  }
0x6f: {  	_ =	shalt  }
0x70: {  	_ =	shalt  }
0x71: {  	_ =	shalt  }
0x72: {  	_ =	shalt  }
0x73: {  	_ =	shalt  }
0x74: {  	_ =	shalt  }
0x75: {  	_ =	shalt  }
0x76: {  	_ =	shalt  }
0x77: {  	_ =	shalt  }
0x78: {  	_ =	shalt  }
0x79: {  	_ =	shalt  }
0x7a: {  	_ =	shalt  }
0x7b: {  	_ =	shalt  }
0x7c: {  	_ =	shalt  }
0x7d: {  	_ =	shalt  }
0x7e: {  	_ =	shalt  }
0x7f: {  	_ =	shalt  }
0x80: {  	_ =	shalt  }
0x81: {  	_ =	shalt  }
0x82: {  	_ =	shalt  }
0x83: {  	_ =	shalt  }
0x84: {  	_ =	shalt  }
0x85: {  	_ =	shalt  }
0x86: {  	_ =	shalt  }
0x87: {  	_ =	shalt  }
.Lfunc_end0:
.L_simem_size_0:
called_computation_lowered:
.L_overlay_start_0:
0x88: {  	s2 =	sld [smem:$0x3FD9]  }
0x89: {  	s3 =	sld [smem:$0x3FFE];
	_ =	sdelay $0x1  }
0x8a: {  	s1 =	srdreg.scid  }
0x8b: {  	s0 =	sand.u32 $0x1, s1  }
0x8c: {  	s17 =	sshll.u32 s0, $0xA;
	s2 =	sadd.s32 s3, s2  }
0x8d: {  	s2 =	sadd.s32 s2, s17  }
0x8e: {  	[smem:$0x3FBD] =	sst s2  }
0x8f: {  	_ = 	snop  }
0x90: {  	s2 =	sld [smem:$0x3FC9];
	(tm) =	ssettm $0x1  }
0x91: {  	s18 =	sld [smem:$0x3FFB];
	_ =	sdelay $0x3  }
0x92: {  	_ =	strace s18  }
0x93: {  	s3 =	sld [smem:$0x3FFC];
	_ =	sdelay $0x3  }
0x94: {  	_ =	strace s3  }
0x95: {  	s3 =	sld [smem:$0x3FFD];
	_ =	sdelay $0x3  }
0x96: {  	_ =	strace s3  }
0x97: {  	_ =	strace $0x8FFFFFFF  }
0x98: {  	s19 =	sld [smem:$0x3FDB];
	_ =	sdelay $0x1  }
0x99: {  	s4 =	simm.s32 $_scs_section_size  }
0x9a: {  	s5 =	simm.s32 $_size__tile_overlayer_lowered;
	s6 =	simm.s32 $_tile_overlayer_lowered  }
0x9b: {  	s22 =	simm.s32 $0x1BFF;
	s21 =	sshll.u32 s6, $0x1;
	s3 =	sadd.s32 s4, s19  }
0x9c: {  	s7 =	simm.s32 $0x0;
	s20 =	sshll.u32 s5, $0x1;
	s5 =	sadd.s32 s21, s3  }
0x9d: {  	[timem:s7], [sflag:s22] =	dma.local [hbm:s5], s20  }
0x9e: {  	_ =	swait.ge [sflag:s22], s20  }
0x9f: {  	s4 =	ssub.s32 $0x0, s20;
	[sflag:s22] =	ssyncset.done $0x0  }
0xa0: {  	[sflag:s22] =	ssyncadd.s32 s4;
	_ =	sdelay $0x1  }
0xa1: {  	s23 =	simm.s32 $0x1B8B  }
0xa2: {  	_ =	swait.ge [sflag:s23], $0x1  }
0xa3: {  	[sflag:s23] =	ssyncset.done $0x0  }
0xa4: {  	s25 =	simm.s32 $0x1B8E;
	s24 =	sld [smem:$0x3FFE];
	[sflag:s23] =	ssyncadd.s32 $0xFFFFFFFF  }
0xa5: {  	s26 =	simm.s32 $execute0_lowered;
	[smem:$0x3FD2] =	sst s25  }
0xa6: {  	s5 =	sshll.u32 s26, $0x1;
	_ =	strace $0x80000046;
	[dreg:$0x1] =	wrdreg $0xFFFFFFFF  }
0xa7: {  	s28 =	simm.s32 $_size_execute0_lowered;
	s3 =	sadd.s32 s3, s5;
	[dreg:$0x0] =	wrdreg $0x0  }
0xa8: {  	s5 =	sshll.u32 s28, $0x1;
	[dreg:$0x2] =	wrdreg s3  }
0xa9: {  	[dreg:$0x3] =	wrdreg s5  }
0xaa: {  	[dreg:$0x4] =	wrdreg $0xC0  }
0xab: {  	_ =	task [dreg:s7], $0x5FFFF  }
0xac: {  	[dreg:$0x1] =	wrdreg $0xFFFFFFFF  }
0xad: {  	[dreg:$0x0] =	wrdreg $0x60  }
0xae: {  	[dreg:$0x2] =	wrdreg s2  }
0xaf: {  	[dreg:$0x3] =	wrdreg s24  }
0xb0: {  	[dreg:$0x4] =	wrdreg $0x78800  }
0xb1: {  	[dreg:$0x5] =	wrdreg $0x9  }
0xb2: {  	_ =	task.clear_ibuf [dreg:s7], $0x6FFFF;
	_ =	strace $0x90000046  }
0xb3: {  	s29 =	simm.s32 $0x9;
	_ =	strace $0x80000048  }
0xb4: {  	_ =	swait.ge [sflag:s29], $0x1  }
0xb5: {  	[sflag:s29] =	ssyncadd.s32 $0xFFFFFFFF  }
0xb6: {  	_ =	strace $0x90000048  }
0xb7: {  	_ =	sfence  }
0xb8: {  	s30 =	sld [smem:$0x0];
	_ =	sdelay $0x2  }
0xb9: {  	s31 =	sshll.u32 s1, $0xD;
	s1 =	sshrl.u32 s1, $0x2  }
0xba: {  	s3 =	sand.u32 $0x4000, s31;
	s1 =	sadd.s32 s1, s30  }
0xbb: {  	s0 =	sor.u32 s3, s0;
	s1 =	sshll.u32 s1, $0x11  }
0xbc: {  	s0 =	sor.u32 s1, s0  }
0xbd: {  	s0 =	sadd.s32 $0x8F2B, s0  }
0xbe: {  	[sflag:s0] =	ssyncadd.remote.s32 $0x1  }
0xbf: {  	_ =	sfence.sel $0xFFFF  }
0xc0: {  	[dreg:$0x0] =	wrdreg $0xFFFFFFFF;
	(pc) =	sbr.abs _section_cstart, $3  }
0xc1: {  	[dreg:$0x1] =	wrdreg $0xFFFFFFFF  }
0xc2: {  	_ =	task.clear_ibuf [dreg:s7], $0x2FFFF;
	_ =	strace $0x9FFFFFFF  }
0xc3: {  	(tm) =	ssettm $0x7FFFFFFF  }
tec
execute0_lowered:
.L_overlay_start_1:
0x0: {  	(tag) =	ssettag $0x1  }
0x1: {  	s10 =	stileid.u32  }
0x2: {  	s0 =	srdreg.scid;
	s7 =	smul.u32 $0x5000, s10  }
0x3: {  	s1 =	rddreg [dreg:$0x0];
	s0 =	sand.u32 $0x1, s0;
	s22 =	smul.u32 $0x4F000, s10  }
0x4: {  	s2 =	rddreg [dreg:$0x1];
	s9 =	sshrl.u32 s10, $0x2;
	s8 =	smul.u32 $0x2800, s0  }
0x5: {  	s3 =	rddreg [dreg:$0x2];
	s4 =	sshll.u32 s10, $0x1;
	s9 =	smul.u32 $0x13C00, s9  }
0x6: {  	s5 =	sor.u32 s0, s4;
	s4 =	simm.s32 $0x0;
	s11 =	smul.u32 $0x13C000, s0  }
0x7: {  	s0 =	ssub.s32 $0x2, s0;
	s6 =	smul.u32 $0x2800, s5;
	[smem:$0x7FF] =	sst s4  }
0x8: {  	s5 =	sshll.u32 s5, $0x7;
	s23 =	sshrl.u32 s22, $0x2;
	s12 =	sshrl.u32 s0, $0x1  }
0x9: {  	_ =	strace $0x80000047;
	s7 =	sadd.s32 s8, s7;
	s5 =	sand.u32 $0x380, s5  }
0xa: {  	s0 =	ssub.s32 s0, s12;
	s12 =	simm.s32 $0x2;
	s6 =	sshrl.u32 s6, $0x3  }
0xb: {  	s7 =	sshrl.u32 s7, $0x3;
	s5 =	sor.u32 s9, s5;
	s9 =	smul.u32 $0x13C00, s10  }
0xc: {  	s10 =	sadd.s32 $0x20000, s2;
	s0 =	smax.u32 s0, $0x1;
	s6 =	sadd.s32 s6, s2  }
0xd: {  	s7 =	sadd.s32 s7, s2;
	s5 =	sshrl.u32 s5, $0x3;
	[dreg:$0x9] =	wrdreg s0  }
0xe: {  	s2 =	sadd.s32 s5, s2;
	s24 =	sadd.s32 $0x10000, s9;
	s5 =	sadd.s32 s23, s3  }
0xf: {  	s6 =	sadd.s32 $0x2200, s6;
	s17 =	sadd.s32 s11, s9;
	s20 =	sadd.s32 $0x4000, s9  }
0x10: {  	s21 =	sadd.s32 $0x8000, s9;
	s9 =	sadd.s32 $0xC000, s9;
	s13 =	sadd.s32 s11, s24  }
0x11: {  	s25 =	sadd.s32 $0x13000, s5;
	[dreg:$0x5] =	wrdreg s6;
	s8 =	sadd.s32 s24, s3  }
0x12: {  	s2 =	sadd.s32 $0x16200, s2;
	s14 =	sadd.s32 $0x1000, s5;
	[dreg:$0x4] =	wrdreg s25  }
0x13: {  	s15 =	sadd.s32 $0x2000, s5;
	s16 =	sadd.s32 $0x3000, s5;
	[dreg:$0x6] =	wrdreg s8  }
0x14: {  	s18 =	sadd.s32 $0x4000, s5;
	s19 =	sadd.s32 $0x5000, s5;
	[dreg:$0x8] =	wrdreg s2  }
0x15: {  	s0 =	sshrl.u32 s17, $0x3;
	s22 =	sadd.s32 s11, s20;
	[dreg:$0xa] =	wrdreg s14  }
0x16: {  	s23 =	sadd.s32 s11, s21;
	s11 =	sadd.s32 s11, s9;
	[dreg:$0xb] =	wrdreg s15  }
0x17: {  	s28 =	sadd.s32 $0x8000, s5;
	s29 =	sadd.s32 $0x9000, s5;
	[dreg:$0xc] =	wrdreg s16  }
0x18: {  	s30 =	sadd.s32 $0xA000, s5;
	s31 =	sadd.s32 $0xB000, s5;
	[dreg:$0xd] =	wrdreg s18  }
0x19: {  	s17 =	simm.s32 $0x1B480;
	s26 =	sshrl.u32 s13, $0x3;
	[dreg:$0xe] =	wrdreg s19  }
0x1a: {  	s0 =	sadd.s32 s10, s0;
	s6 =	sshrl.u32 s22, $0x3;
	s8 =	sshrl.u32 s23, $0x3  }
0x1b: {  	s25 =	sshrl.u32 s11, $0x3;
	s22 =	sadd.s32 s20, s3;
	s23 =	sadd.s32 s21, s3  }
0x1c: {  	s2 =	sadd.s32 $0xC000, s5;
	s11 =	simm.s32 $0x6880;
	s14 =	simm.s32 $0x2880  }
0x1d: {  	s15 =	simm.s32 $0x2800;
	s13 =	sadd.s32 s10, s26;
	[dreg:$0xf] =	wrdreg s0  }
0x1e: {  	s16 =	simm.s32 $0x1;
	s6 =	sadd.s32 s10, s6;
	[dreg:$0x7] =	wrdreg s13  }
0x1f: {  	s18 =	simm.s32 $0x0;
	s24 =	sadd.s32 s10, s8;
	[dreg:$0x10] =	wrdreg s6  }
0x20: {  	s26 =	sadd.s32 $0x6000, s5;
	s0 =	sadd.s32 $0xD000, s5;
	[dreg:$0x11] =	wrdreg s24  }
0x21: {  	s8 =	sadd.s32 $0x10000, s5;
	s6 =	sadd.s32 s10, s25;
	[dreg:$0x13] =	wrdreg s26  }
0x22: {  	s24 =	sadd.s32 s9, s3;
	s25 =	sadd.s32 $0xC200, s7;
	s26 =	sadd.s32 $0x7000, s5  }
0x23: {  	s7 =	sadd.s32 $0xF000, s5;
	s9 =	sadd.s32 $0x11000, s5;
	s10 =	sadd.s32 $0x12000, s5  }
0x24: {  	v0 =	vimm.f32 $0.0e+00;
	v1 =	vimm.f32 $1.000000000e+00;
	s13 =	simm.s32 $0x80;
	[dreg:$0x12] =	wrdreg s6;
	s6 =	sadd.s32 $0xE000, s5  }
.LBB2_1:
0x25: {  	s19 =	simm.s32 $0x0;
	s20 =	simm.s32 $0x200  }
.LBB2_2:
0x26: {  	p0 =	sne.s32 s20, $0x3E00;
	[tilespmem:s19+$0x68F0] =	vst v0  }
0x27: {  	[tilespmem:s19+$0x6880] =	vst v0  }
0x28: {  	[tilespmem:s19+$0x6890] =	vst v0  }
.Ltmp0:
0x29: {  	[tilespmem:s19+$0x68A0] =	vst v0;
	(pc) =	sbr.rel @p0 .LBB2_2-.Ltmp0, $4  }
0x2a: {  	[tilespmem:s19+$0x68B0] =	vst v0  }
0x2b: {  	[tilespmem:s19+$0x68C0] =	vst v0  }
0x2c: {  	[tilespmem:s19+$0x68D0] =	vst v0  }
0x2d: {  	[tilespmem:s19+$0x68E0] =	vst v0;
	s19 =	sshra.s32 s20, $0x2;
	s20 =	sadd.s32 $0x200, s20  }
0x2e: {  	[tilespmem:s19+$0x68F0] =	vst v0  }
0x2f: {  	[tilespmem:s19+$0x6880] =	vst v0  }
0x30: {  	[tilespmem:s19+$0x6890] =	vst v0  }
0x31: {  	[tilespmem:s19+$0x68A0] =	vst v0  }
0x32: {  	[tilespmem:s19+$0x68B0] =	vst v0  }
0x33: {  	[tilespmem:s19+$0x68C0] =	vst v0  }
0x34: {  	[tilespmem:s19+$0x68D0] =	vst v0  }
0x35: {  	[tilespmem:s19+$0x68E0] =	vst v0  }
0x36: {  	[spmem:s5] =	stream.linear.scatter [tilespmem:s11], [sflag:$0x2], $0x1000, $0x38;
	[tilespmem:$0x1DC00] =	vst v63  }
0x37: {  	_ =	swait.ge [sflag:s12], $0x1000  }
0x38: {  	[sflag:s12] =	ssyncset.done $0x0  }
0x39: {  	s21 =	rddreg [dreg:$0xa];
	[sflag:s12] =	ssyncadd.s32 $0xFFFFF000  }
0x3a: {  	[spmem:s21] =	stream.linear.scatter [tilespmem:s11], [sflag:$0x2], $0x1000, $0x38;
	[tilespmem:$0x1DC00] =	vst v63  }
0x3b: {  	_ =	swait.ge [sflag:s12], $0x1000  }
0x3c: {  	[sflag:s12] =	ssyncset.done $0x0  }
0x3d: {  	s20 =	rddreg [dreg:$0xb];
	[sflag:s12] =	ssyncadd.s32 $0xFFFFF000  }
0x3e: {  	[spmem:s20] =	stream.linear.scatter [tilespmem:s11], [sflag:$0x2], $0x1000, $0x38;
	[tilespmem:$0x1DC00] =	vst v63  }
0x3f: {  	_ =	swait.ge [sflag:s12], $0x1000  }
0x40: {  	[sflag:s12] =	ssyncset.done $0x0  }
0x41: {  	s21 =	rddreg [dreg:$0xc];
	[sflag:s12] =	ssyncadd.s32 $0xFFFFF000  }
0x42: {  	[spmem:s21] =	stream.linear.scatter [tilespmem:s11], [sflag:$0x2], $0x1000, $0x38;
	[tilespmem:$0x1DC00] =	vst v63  }
0x43: {  	_ =	swait.ge [sflag:s12], $0x1000  }
0x44: {  	[sflag:s12] =	ssyncset.done $0x0  }
0x45: {  	s20 =	rddreg [dreg:$0xd];
	[sflag:s12] =	ssyncadd.s32 $0xFFFFF000  }
0x46: {  	[spmem:s20] =	stream.linear.scatter [tilespmem:s11], [sflag:$0x2], $0x1000, $0x38;
	[tilespmem:$0x1DC00] =	vst v63  }
0x47: {  	_ =	swait.ge [sflag:s12], $0x1000  }
0x48: {  	[sflag:s12] =	ssyncset.done $0x0  }
0x49: {  	s21 =	rddreg [dreg:$0xe];
	[sflag:s12] =	ssyncadd.s32 $0xFFFFF000  }
0x4a: {  	[spmem:s21] =	stream.linear.scatter [tilespmem:s11], [sflag:$0x2], $0x1000, $0x38;
	[tilespmem:$0x1DC00] =	vst v63  }
0x4b: {  	_ =	swait.ge [sflag:s12], $0x1000  }
0x4c: {  	[sflag:s12] =	ssyncset.done $0x0  }
0x4d: {  	s20 =	rddreg [dreg:$0x13];
	[sflag:s12] =	ssyncadd.s32 $0xFFFFF000  }
0x4e: {  	[spmem:s20] =	stream.linear.scatter [tilespmem:s11], [sflag:$0x2], $0x1000, $0x38;
	[tilespmem:$0x1DC00] =	vst v63  }
0x4f: {  	_ =	swait.ge [sflag:s12], $0x1000  }
0x50: {  	[sflag:s12] =	ssyncset.done $0x0  }
0x51: {  	[sflag:s12] =	ssyncadd.s32 $0xFFFFF000  }
0x52: {  	[spmem:s26] =	stream.linear.scatter [tilespmem:s11], [sflag:$0x2], $0x1000, $0x38;
	[tilespmem:$0x1DC00] =	vst v63  }
0x53: {  	_ =	swait.ge [sflag:s12], $0x1000  }
0x54: {  	[sflag:s12] =	ssyncset.done $0x0  }
0x55: {  	[sflag:s12] =	ssyncadd.s32 $0xFFFFF000  }
0x56: {  	[spmem:s28] =	stream.linear.scatter [tilespmem:s11], [sflag:$0x2], $0x1000, $0x38;
	[tilespmem:$0x1DC00] =	vst v63  }
0x57: {  	_ =	swait.ge [sflag:s12], $0x1000  }
0x58: {  	[sflag:s12] =	ssyncset.done $0x0  }
0x59: {  	[sflag:s12] =	ssyncadd.s32 $0xFFFFF000  }
0x5a: {  	[spmem:s29] =	stream.linear.scatter [tilespmem:s11], [sflag:$0x2], $0x1000, $0x38;
	[tilespmem:$0x1DC00] =	vst v63  }
0x5b: {  	_ =	swait.ge [sflag:s12], $0x1000  }
0x5c: {  	[sflag:s12] =	ssyncset.done $0x0  }
0x5d: {  	[sflag:s12] =	ssyncadd.s32 $0xFFFFF000  }
0x5e: {  	[spmem:s30] =	stream.linear.scatter [tilespmem:s11], [sflag:$0x2], $0x1000, $0x38;
	[tilespmem:$0x1DC00] =	vst v63  }
0x5f: {  	_ =	swait.ge [sflag:s12], $0x1000  }
0x60: {  	[sflag:s12] =	ssyncset.done $0x0  }
0x61: {  	[sflag:s12] =	ssyncadd.s32 $0xFFFFF000  }
0x62: {  	[spmem:s31] =	stream.linear.scatter [tilespmem:s11], [sflag:$0x2], $0x1000, $0x38;
	[tilespmem:$0x1DC00] =	vst v63  }
0x63: {  	_ =	swait.ge [sflag:s12], $0x1000  }
0x64: {  	[sflag:s12] =	ssyncset.done $0x0  }
0x65: {  	[sflag:s12] =	ssyncadd.s32 $0xFFFFF000  }
0x66: {  	[spmem:s2] =	stream.linear.scatter [tilespmem:s11], [sflag:$0x2], $0x1000, $0x38;
	[tilespmem:$0x1DC00] =	vst v63  }
0x67: {  	_ =	swait.ge [sflag:s12], $0x1000  }
0x68: {  	[sflag:s12] =	ssyncset.done $0x0  }
0x69: {  	[sflag:s12] =	ssyncadd.s32 $0xFFFFF000  }
0x6a: {  	[spmem:s0] =	stream.linear.scatter [tilespmem:s11], [sflag:$0x2], $0x1000, $0x38;
	[tilespmem:$0x1DC00] =	vst v63  }
0x6b: {  	_ =	swait.ge [sflag:s12], $0x1000  }
0x6c: {  	[sflag:s12] =	ssyncset.done $0x0  }
0x6d: {  	[sflag:s12] =	ssyncadd.s32 $0xFFFFF000  }
0x6e: {  	[spmem:s6] =	stream.linear.scatter [tilespmem:s11], [sflag:$0x2], $0x1000, $0x38;
	[tilespmem:$0x1DC00] =	vst v63  }
0x6f: {  	_ =	swait.ge [sflag:s12], $0x1000  }
0x70: {  	[sflag:s12] =	ssyncset.done $0x0  }
0x71: {  	[sflag:s12] =	ssyncadd.s32 $0xFFFFF000  }
0x72: {  	[spmem:s7] =	stream.linear.scatter [tilespmem:s11], [sflag:$0x2], $0x1000, $0x38;
	[tilespmem:$0x1DC00] =	vst v63  }
0x73: {  	_ =	swait.ge [sflag:s12], $0x1000  }
0x74: {  	[sflag:s12] =	ssyncset.done $0x0  }
0x75: {  	[sflag:s12] =	ssyncadd.s32 $0xFFFFF000  }
0x76: {  	[spmem:s8] =	stream.linear.scatter [tilespmem:s11], [sflag:$0x2], $0x1000, $0x38;
	[tilespmem:$0x1DC00] =	vst v63  }
0x77: {  	_ =	swait.ge [sflag:s12], $0x1000  }
0x78: {  	[sflag:s12] =	ssyncset.done $0x0  }
0x79: {  	[sflag:s12] =	ssyncadd.s32 $0xFFFFF000  }
0x7a: {  	[spmem:s9] =	stream.linear.scatter [tilespmem:s11], [sflag:$0x2], $0x1000, $0x38;
	[tilespmem:$0x1DC00] =	vst v63  }
0x7b: {  	_ =	swait.ge [sflag:s12], $0x1000  }
0x7c: {  	[sflag:s12] =	ssyncset.done $0x0  }
0x7d: {  	[sflag:s12] =	ssyncadd.s32 $0xFFFFF000  }
0x7e: {  	[spmem:s10] =	stream.linear.scatter [tilespmem:s11], [sflag:$0x2], $0x1000, $0x38;
	[tilespmem:$0x1DC00] =	vst v63  }
0x7f: {  	_ =	swait.ge [sflag:s12], $0x1000  }
0x80: {  	[sflag:s12] =	ssyncset.done $0x0  }
0x81: {  	s21 =	rddreg [dreg:$0x4];
	[sflag:s12] =	ssyncadd.s32 $0xFFFFF000  }
0x82: {  	[spmem:s21] =	stream.linear.scatter [tilespmem:s11], [sflag:$0x2], $0xC00, $0x38;
	[tilespmem:$0x1DC00] =	vst v63  }
0x83: {  	_ =	swait.ge [sflag:s12], $0xC00  }
0x84: {  	[sflag:s12] =	ssyncset.done $0x0  }
0x85: {  	s19 =	simm.s32 $0x40;
	s20 =	simm.s32 $0x0;
	[sflag:s12] =	ssyncadd.s32 $0xFFFFF400  }
.LBB2_4:
0x86: {  	p0 =	sne.s32 s19, $0x9DC0;
	[tilespmem:s20+$0x1B480] =	vst v0;
	s20 =	smov.u32 s19;
	s19 =	sadd.s32 $0x40, s19  }
.Ltmp1:
0x87: {  	(pc) =	sbr.rel @p0 .LBB2_4-.Ltmp1, $2  }
0x88: {  	_ =	sdelay $0x2  }
0x89: {  	s20 =	sshra.s32 s20, $0x2  }
0x8a: {  	[tilespmem:s20+$0x1B480] =	vst v0;
	s19 =	simm.s32 $0x0;
	s21 =	rddreg [dreg:$0x5]  }
0x8b: {  	[tilespmem:s19], [sflag:$0x2] =	stream.linear.gather [hbm4b:s21+s19], $0x2800, $0x38;
	[tilespmem:$0x1DC00] =	vst v63  }
0x8c: {  	_ =	swait.ge [sflag:s12], $0x2800  }
0x8d: {  	[sflag:s12] =	ssyncset.done $0x0  }
0x8e: {  	[sflag:s12] =	ssyncadd.s32 $0xFFFFD800  }
0x8f: {  	s20 =	simm.s32 $0x0;
	[bflag:$0x0] =	sbarrier.arrive $0xFFFF  }
.LBB2_6:
0x90: {  	[tilespmem:s14], [sflag:$0x1] =	stream.indirect.gather [hbm4b:s1+s13], $0x80, s19, s13, $0xb8;
	[tilespmem:$0x1DC00] =	vst v63  }
0x91: {  	s21 =	sadd.s32 s20, s25  }
0x92: {  	[tilespmem:s15], [sflag:$0x2] =	stream.linear.gather [hbm4b:s21+s4], $0x80, $0x38;
	[tilespmem:$0x1DC00] =	vst v63  }
0x93: {  	_ =	swait.ge [sflag:s12], $0x80  }
0x94: {  	[sflag:s12] =	ssyncset.done $0x0  }
0x95: {  	[sflag:s12] =	ssyncadd.s32 $0xFFFFFF80  }
0x96: {  	_ =	swait.ge [sflag:s16], $0x4000  }
0x97: {  	[sflag:s16] =	ssyncset.done $0x0  }
0x98: {  	[sflag:s16] =	ssyncadd.s32 $0xFFFFC000  }
0x99: {  	[spmem:s3] =	stream.indirect.scatter.add.f32 [tilespmem:s14], [sflag:$0x2], $0x80, s15, s13, $0xb8;
	[tilespmem:$0x1DC00] =	vst v63  }
0x9a: {  	_ =	swait.ge [sflag:s12], $0x4000  }
0x9b: {  	[sflag:s12] =	ssyncset.done $0x0  }
0x9c: {  	[sflag:s12] =	ssyncadd.s32 $0xFFFFC000  }
0x9d: {  	v2 =	vld [tilespmem:$0x2800];
	_ =	sdelay $0x7  }
0x9e: {  	[tilespmem:v2+s17+$0x0] =	vst.idx.add.f32.msk $0xffff, v1  }
0x9f: {  	v2 =	vld [tilespmem:$0x2810];
	_ =	sdelay $0x7  }
0xa0: {  	[tilespmem:v2+s17+$0x0] =	vst.idx.add.f32.msk $0xffff, v1  }
0xa1: {  	v2 =	vld [tilespmem:$0x2820];
	_ =	sdelay $0x7  }
0xa2: {  	[tilespmem:v2+s17+$0x0] =	vst.idx.add.f32.msk $0xffff, v1  }
0xa3: {  	v2 =	vld [tilespmem:$0x2830];
	_ =	sdelay $0x7  }
0xa4: {  	[tilespmem:v2+s17+$0x0] =	vst.idx.add.f32.msk $0xffff, v1  }
0xa5: {  	v2 =	vld [tilespmem:$0x2840];
	_ =	sdelay $0x7  }
0xa6: {  	[tilespmem:v2+s17+$0x0] =	vst.idx.add.f32.msk $0xffff, v1  }
0xa7: {  	v2 =	vld [tilespmem:$0x2850];
	_ =	sdelay $0x7  }
0xa8: {  	[tilespmem:v2+s17+$0x0] =	vst.idx.add.f32.msk $0xffff, v1  }
0xa9: {  	v2 =	vld [tilespmem:$0x2860];
	_ =	sdelay $0x7  }
0xaa: {  	[tilespmem:v2+s17+$0x0] =	vst.idx.add.f32.msk $0xffff, v1  }
0xab: {  	v2 =	vld [tilespmem:$0x2870];
	_ =	sdelay $0x2  }
0xac: {  	p0 =	sne.s32 s20, $0x4F0  }
.Ltmp2:
0xad: {  	_ = 	snop;
	(pc) =	sbr.rel @p0 .LBB2_6-.Ltmp2, $2  }
0xae: {  	_ =	sdelay $0x2  }
0xaf: {  	s19 =	sadd.s32 $0x80, s19;
	s20 =	sadd.s32 $0x10, s20;
	[tilespmem:v2+s17+$0x0] =	vst.idx.add.f32.msk $0xffff, v1  }
0xb0: {  	[bflag:$0x0] =	sbarrier.arrive $0xFFFF  }
0xb1: {  	[tilespmem:s14], [sflag:$0x2] =	stream.linear.gather [spmem:s5], $0x4000, $0x38;
	[tilespmem:$0x1DC00] =	vst v63  }
0xb2: {  	_ =	swait.ge [sflag:s12], $0x4000  }
0xb3: {  	[sflag:s12] =	ssyncset.done $0x0  }
0xb4: {  	s19 =	rddreg [dreg:$0xf];
	[sflag:s12] =	ssyncadd.s32 $0xFFFFC000  }
0xb5: {  	[hbm4b:s19+s4] =	stream.linear.scatter [tilespmem:s14], [sflag:$0x2], $0x4000, $0x38;
	[tilespmem:$0x1DC00] =	vst v63  }
0xb6: {  	_ =	swait.ge [sflag:s12], $0x4000  }
0xb7: {  	[sflag:s12] =	ssyncset.done $0x0  }
0xb8: {  	[sflag:s12] =	ssyncadd.s32 $0xFFFFC000  }
0xb9: {  	[tilespmem:s14], [sflag:$0x2] =	stream.linear.gather [spmem:s22], $0x4000, $0x38;
	[tilespmem:$0x1DC00] =	vst v63  }
0xba: {  	_ =	swait.ge [sflag:s12], $0x4000  }
0xbb: {  	[sflag:s12] =	ssyncset.done $0x0  }
0xbc: {  	s20 =	rddreg [dreg:$0x10];
	[sflag:s12] =	ssyncadd.s32 $0xFFFFC000  }
0xbd: {  	[hbm4b:s20+s4] =	stream.linear.scatter [tilespmem:s14], [sflag:$0x2], $0x4000, $0x38;
	[tilespmem:$0x1DC00] =	vst v63  }
0xbe: {  	_ =	swait.ge [sflag:s12], $0x4000  }
0xbf: {  	[sflag:s12] =	ssyncset.done $0x0  }
0xc0: {  	[sflag:s12] =	ssyncadd.s32 $0xFFFFC000  }
0xc1: {  	[tilespmem:s14], [sflag:$0x2] =	stream.linear.gather [spmem:s23], $0x4000, $0x38;
	[tilespmem:$0x1DC00] =	vst v63  }
0xc2: {  	_ =	swait.ge [sflag:s12], $0x4000  }
0xc3: {  	[sflag:s12] =	ssyncset.done $0x0  }
0xc4: {  	s21 =	rddreg [dreg:$0x11];
	[sflag:s12] =	ssyncadd.s32 $0xFFFFC000  }
0xc5: {  	[hbm4b:s21+s4] =	stream.linear.scatter [tilespmem:s14], [sflag:$0x2], $0x4000, $0x38;
	[tilespmem:$0x1DC00] =	vst v63  }
0xc6: {  	_ =	swait.ge [sflag:s12], $0x4000  }
0xc7: {  	[sflag:s12] =	ssyncset.done $0x0  }
0xc8: {  	[sflag:s12] =	ssyncadd.s32 $0xFFFFC000  }
0xc9: {  	[tilespmem:s14], [sflag:$0x2] =	stream.linear.gather [spmem:s24], $0x4000, $0x38;
	[tilespmem:$0x1DC00] =	vst v63  }
0xca: {  	_ =	swait.ge [sflag:s12], $0x4000  }
0xcb: {  	[sflag:s12] =	ssyncset.done $0x0  }
0xcc: {  	s20 =	rddreg [dreg:$0x12];
	[sflag:s12] =	ssyncadd.s32 $0xFFFFC000  }
0xcd: {  	[hbm4b:s20+s4] =	stream.linear.scatter [tilespmem:s14], [sflag:$0x2], $0x4000, $0x38;
	[tilespmem:$0x1DC00] =	vst v63  }
0xce: {  	_ =	swait.ge [sflag:s12], $0x4000  }
0xcf: {  	[sflag:s12] =	ssyncset.done $0x0  }
0xd0: {  	s21 =	rddreg [dreg:$0x6];
	[sflag:s12] =	ssyncadd.s32 $0xFFFFC000  }
0xd1: {  	[tilespmem:s14], [sflag:$0x2] =	stream.linear.gather [spmem:s21], $0x3C00, $0x38;
	[tilespmem:$0x1DC00] =	vst v63  }
0xd2: {  	_ =	swait.ge [sflag:s12], $0x3C00  }
0xd3: {  	[sflag:s12] =	ssyncset.done $0x0  }
0xd4: {  	s20 =	rddreg [dreg:$0x7];
	[sflag:s12] =	ssyncadd.s32 $0xFFFFC400  }
0xd5: {  	[hbm4b:s20+s4] =	stream.linear.scatter [tilespmem:s14], [sflag:$0x2], $0x3C00, $0x38;
	[tilespmem:$0x1DC00] =	vst v63  }
0xd6: {  	_ =	swait.ge [sflag:s12], $0x3C00  }
0xd7: {  	[sflag:s12] =	ssyncset.done $0x0  }
0xd8: {  	s20 =	simm.s32 $0x400;
	s21 =	rddreg [dreg:$0x8];
	[sflag:s12] =	ssyncadd.s32 $0xFFFFC400  }
0xd9: {  	[hbm4b:s21+s13] =	stream.strided.scatter [tilespmem:s17], [sflag:$0x2], $0x2780, s20, s13, $0x38;
	[tilespmem:$0x1DC00] =	vst v63  }
0xda: {  	_ =	swait.ge [sflag:s12], $0x2780  }
0xdb: {  	s18 =	sadd.s32 $0x1, s18;
	s21 =	rddreg [dreg:$0x9]  }
0xdc: {  	p0 =	sne.s32 s18, s21  }
.Ltmp3:
0xdd: {  	_ = 	snop;
	(pc) =	sbr.rel @p0 .LBB2_1-.Ltmp3, $3  }
0xde: {  	_ =	sdelay $0x1  }
0xdf: {  	[sflag:s12] =	ssyncset.done $0x0  }
0xe0: {  	[sflag:s12] =	ssyncadd.s32 $0xFFFFD880  }
0xe1: {  	_ =	sfence.sel $0x180000  }
0xe2: {  	[bflag:$0x0] =	sbarrier.arrive $0xFFFF  }
0xe3: {  	_ =	strace $0x90000047  }
0xe4: {  	s0 =	stileid.u32;
	[bflag:$0x2] =	sbarrier.arrive $0xFFFF  }
0xe5: {  	p0 =	sne.s32 s0, $0x0;
	s0 =	rddreg [dreg:$0x3]  }
0xe6: {  	s0 =	sadd.s32 @!p0 $0x100000, s0  }
0xe7: {  	[sflag:s0] =	ssyncadd.tile.s32 @!p0 $0x1;
	_ =	shalt  }
.Lfunc_end2:
_tile_overlayer_lowered:
.L_overlay_start_2:
0xe8: {  	(tag) =	ssettag $0x2  }
0xe9: {  	s0 =	rddreg [dreg:$0x0];
	s2 =	stileid.u32  }
0xea: {  	s1 =	rddreg [dreg:$0x1];
	p0 =	sne.s32 s2, $0x0  }
0xeb: {  	s3 =	rddreg [dreg:$0x2];
	[bflag:$0x3] =	sbarrier.arrive $0xFFFF;
	s2 =	simm.s32 @!p0 $0x1C02  }
0xec: {  	[timem:s3], [sflag:s2] =	dma.local @!p0 [hbm:s0], s1  }
0xed: {  	s0 =	simm.s32 @!p0 $0x2  }
0xee: {  	_ =	swait.ge @!p0 [sflag:s0], s1  }
0xef: {  	s1 =	ssub.s32 @!p0 $0x0, s1;
	[sflag:s0] =	ssyncset.done @!p0 $0x0  }
0xf0: {  	[sflag:s0] =	ssyncadd.s32 @!p0 s1  }
0xf1: {  	[bflag:$0x3] =	sbarrier.arrive $0xFFFF  }
0xf2: {  	_ =	shalt  }

</sc_bundles>
